<compile_context>
chip_gen: v7x
topology: tpu7x:2x2x1
jax: 0.10.2.dev20260603
libtpu: 0.0.44.dev20260713+nightly
codegen_flags: <defaults>
</compile_context>

<pallas_src>
import functools

import jax
import jax.numpy as jnp
from jax import lax
from jax.experimental import pallas as pl
from jax.experimental.pallas import tpu as pltpu
from jax.experimental.pallas import tpu_sc as plsc

N_EDGES = 320000
D = 128
N_SEG = 10000

NC = 2
NS = 16
NW = NC * NS
EPT = N_EDGES // NW
CHUNK = 128
N_FULL = EPT // CHUNK
TAIL = EPT - N_FULL * CHUNK
ZROWS = 208
ROWS_PER_TILE = 624
ROW_TAIL = N_SEG - NS * ROWS_PER_TILE


def _sc_partials(x, index):
    mesh = plsc.VectorSubcoreMesh(
        core_axis_name="c", subcore_axis_name="s", num_cores=NC, num_subcores=NS
    )

    @functools.partial(
        pl.kernel,
        out_type=jax.ShapeDtypeStruct((NC, N_SEG, D), jnp.float32),
        mesh=mesh,
        scratch_types=[
            pltpu.VMEM_SHARED((N_SEG, D), jnp.float32),
            pltpu.VMEM((CHUNK, D), jnp.float32),
            pltpu.VMEM((CHUNK,), jnp.int32),
            pltpu.VMEM((TAIL, D), jnp.float32),
            pltpu.VMEM((TAIL,), jnp.int32),
            pltpu.VMEM((ZROWS, D), jnp.float32),
        ],
    )
    def run(x_hbm, idx_hbm, part_hbm, acc, xbuf, ibuf, txbuf, tibuf, zbuf):
        c = lax.axis_index("c")
        s = lax.axis_index("s")
        wid = s * NC + c

        def zrow(i, carry):
            for j in range(D // 16):
                zbuf[i, pl.ds(j * 16, 16)] = jnp.zeros((16,), jnp.float32)
            return carry

        lax.fori_loop(0, ZROWS, zrow, 0)
        for k in range(ROWS_PER_TILE // ZROWS):
            pltpu.sync_copy(zbuf, acc.at[pl.ds(s * ROWS_PER_TILE + k * ZROWS, ZROWS)])

        @pl.when(s == 0)
        def _():
            pltpu.sync_copy(
                zbuf.at[pl.ds(0, ROW_TAIL)], acc.at[pl.ds(NS * ROWS_PER_TILE, ROW_TAIL)]
            )

        plsc.subcore_barrier()

        base = wid * EPT

        def chunk(k, carry):
            off = pl.multiple_of(base + k * CHUNK, 8)
            pltpu.sync_copy(idx_hbm.at[pl.ds(off, CHUNK)], ibuf)
            pltpu.sync_copy(x_hbm.at[pl.ds(off, CHUNK)], xbuf)
            pltpu.sync_copy(xbuf, acc.at[ibuf], add=True)
            return carry

        lax.fori_loop(0, N_FULL, chunk, 0)

        toff = pl.multiple_of(base + N_FULL * CHUNK, 8)
        pltpu.sync_copy(idx_hbm.at[pl.ds(toff, TAIL)], tibuf)
        pltpu.sync_copy(x_hbm.at[pl.ds(toff, TAIL)], txbuf)
        pltpu.sync_copy(txbuf, acc.at[tibuf], add=True)
        plsc.subcore_barrier()

        for k in range(ROWS_PER_TILE // ZROWS):
            r = s * ROWS_PER_TILE + k * ZROWS
            pltpu.sync_copy(acc.at[pl.ds(r, ZROWS)], zbuf)
            pltpu.sync_copy(zbuf, part_hbm.at[c].at[pl.ds(r, ZROWS)])

        @pl.when(s == 0)
        def _():
            r = NS * ROWS_PER_TILE
            pltpu.sync_copy(acc.at[pl.ds(r, ROW_TAIL)], zbuf.at[pl.ds(0, ROW_TAIL)])
            pltpu.sync_copy(
                zbuf.at[pl.ds(0, ROW_TAIL)], part_hbm.at[c].at[pl.ds(r, ROW_TAIL)]
            )

    return run(x, index)


def _merge(parts):
    def body(p_ref, o_ref):
        o_ref[...] = p_ref[0] + p_ref[1]

    return pl.pallas_call(
        body,
        out_shape=jax.ShapeDtypeStruct((N_SEG, D), jnp.float32),
        grid=(10,),
        in_specs=[pl.BlockSpec((NC, N_SEG // 10, D), lambda i: (0, i, 0))],
        out_specs=pl.BlockSpec((N_SEG // 10, D), lambda i: (i, 0)),
    )(parts)


def kernel(x, index, dim_size):
    parts = _sc_partials(x, index.astype(jnp.int32))
    return _merge(parts)

# --- scband reference (transcript-rebuilt; emitter-appended) ---
"""Pipeline reference for scband-aggregation-3496103379166 (READ-ONLY COPY).

The authoritative reference and input builder live on the scoring server;
editing this copy changes nothing except your own understanding.
"""

import jax, jax.numpy as jnp
import numpy as np

N_EDGES = 320000
D_FEAT = 128
N_SEGMENTS = 10000


def setup_inputs(seed: int = 0) -> dict:
    key = jax.random.key(seed)
    k1, k2 = jax.random.split(key)
    x = jax.random.normal(k1, (N_EDGES, D_FEAT), dtype=jnp.float32)
    index = jnp.sort(jax.random.randint(k2, (N_EDGES,), 0, N_SEGMENTS, dtype=jnp.int32))
    return {"x": x, "index": index, "dim_size": N_SEGMENTS}


def reference(x, index, dim_size):
    # Aggregation base class with reduce='add':
    # scatter-add of edge/node features into dim_size output rows along dim=-2.
    # Equivalent to torch_scatter.scatter(x, index, dim=0, dim_size=dim_size, reduce='add').
    index = index % dim_size
    out = jax.ops.segment_sum(x, index, num_segments=N_SEGMENTS)
    return out

if __name__ == "__main__":
    import jax
    _d = setup_inputs()
    print(jax.jit(kernel)(*tuple(_d.values())))

</pallas_src>

<mosaic_0001>
#map = affine_map<(d0, d1) -> (0, 0)>
#map1 = affine_map<(d0, d1) -> (0)>
#map2 = affine_map<(d0, d1) -> (0, 0, 0)>
module attributes {stable_mosaic.version = 14 : i64} {
  func.func @run(%arg0: i32, %arg1: i32, %arg2: memref<320000x128xf32, #tpu.memory_space<hbm>>, %arg3: memref<320000xi32, #tpu.memory_space<hbm>>, %arg4: memref<2x10000x128xf32, #tpu.memory_space<hbm>>, %arg5: memref<10000x128xf32, #tpu.memory_space<vmem_shared>>, %arg6: memref<128x128xf32, #tpu.memory_space<vmem>>, %arg7: memref<128xi32, #tpu.memory_space<vmem>>, %arg8: memref<16x128xf32, #tpu.memory_space<vmem>>, %arg9: memref<16xi32, #tpu.memory_space<vmem>>, %arg10: memref<208x128xf32, #tpu.memory_space<vmem>>) attributes {dimension_semantics = [#tpu.dimension_semantics<core_parallel>, #tpu.dimension_semantics<subcore_parallel>], iteration_bounds = array<i64: 2, 16>, scalar_prefetch = 0 : i64, scratch_operands = 6 : i64, tpu.core_type = #tpu.core_type<sc_vector_subcore>, window_params = [{transform_indices = #map}, {transform_indices = #map1}, {transform_indices = #map2}]} {
    %mul3A = arith.constant 2 : i32
    %mul3A_0 = arith.muli %arg1, %mul3A : i32
    %add3A = arith.addi %mul3A_0, %arg0 : i32
    %scan3A = arith.constant 0 : i32
    %scan3A_1 = arith.constant 0 : i32
    %scan3A_2 = arith.constant 208 : i32
    %scan3A_3 = arith.addi %scan3A_1, %scan3A_2 : i32
    %scan3A_4 = arith.constant 1 : i32
    scf.for %scan3A_48 = %scan3A_1 to %scan3A_3 step %scan3A_4  : i32 {
      %broadcast_in_dim3A = arith.constant 0.000000e+00 : f32
      %broadcast_in_dim3A_49 = vector.broadcast %broadcast_in_dim3A : f32 to vector<16xf32>
      %swap3A = arith.index_cast %scan3A_48 : i32 to index
      %swap3A_50 = arith.constant 0 : index
      %swap3A_51 = tpu.vector_load %arg10[%swap3A, %swap3A_50] {strides = array<i32>} : memref<208x128xf32, #tpu.memory_space<vmem>>, vector<1x16xf32>,
      %swap3A_52 = vector.shape_cast %swap3A_51 : vector<1x16xf32> to vector<16xf32>
      %swap3A_53 = vector.shape_cast %broadcast_in_dim3A_49 : vector<16xf32> to vector<1x16xf32>
      tpu.vector_store %arg10[%swap3A, %swap3A_50], %swap3A_53 {strides = array<i32>} : memref<208x128xf32, #tpu.memory_space<vmem>>, vector<1x16xf32>,
      %broadcast_in_dim3A_54 = arith.constant 0.000000e+00 : f32
      %broadcast_in_dim3A_55 = vector.broadcast %broadcast_in_dim3A_54 : f32 to vector<16xf32>
      %swap3A_56 = arith.index_cast %scan3A_48 : i32 to index
      %swap3A_57 = arith.constant 16 : index
      %swap3A_58 = tpu.vector_load %arg10[%swap3A_56, %swap3A_57] {strides = array<i32>} : memref<208x128xf32, #tpu.memory_space<vmem>>, vector<1x16xf32>,
      %swap3A_59 = vector.shape_cast %swap3A_58 : vector<1x16xf32> to vector<16xf32>
      %swap3A_60 = vector.shape_cast %broadcast_in_dim3A_55 : vector<16xf32> to vector<1x16xf32>
      tpu.vector_store %arg10[%swap3A_56, %swap3A_57], %swap3A_60 {strides = array<i32>} : memref<208x128xf32, #tpu.memory_space<vmem>>, vector<1x16xf32>,
      %broadcast_in_dim3A_61 = arith.constant 0.000000e+00 : f32
      %broadcast_in_dim3A_62 = vector.broadcast %broadcast_in_dim3A_61 : f32 to vector<16xf32>
      %swap3A_63 = arith.index_cast %scan3A_48 : i32 to index
      %swap3A_64 = arith.constant 32 : index
      %swap3A_65 = tpu.vector_load %arg10[%swap3A_63, %swap3A_64] {strides = array<i32>} : memref<208x128xf32, #tpu.memory_space<vmem>>, vector<1x16xf32>,
      %swap3A_66 = vector.shape_cast %swap3A_65 : vector<1x16xf32> to vector<16xf32>
      %swap3A_67 = vector.shape_cast %broadcast_in_dim3A_62 : vector<16xf32> to vector<1x16xf32>
      tpu.vector_store %arg10[%swap3A_63, %swap3A_64], %swap3A_67 {strides = array<i32>} : memref<208x128xf32, #tpu.memory_space<vmem>>, vector<1x16xf32>,
      %broadcast_in_dim3A_68 = arith.constant 0.000000e+00 : f32
      %broadcast_in_dim3A_69 = vector.broadcast %broadcast_in_dim3A_68 : f32 to vector<16xf32>
      %swap3A_70 = arith.index_cast %scan3A_48 : i32 to index
      %swap3A_71 = arith.constant 48 : index
      %swap3A_72 = tpu.vector_load %arg10[%swap3A_70, %swap3A_71] {strides = array<i32>} : memref<208x128xf32, #tpu.memory_space<vmem>>, vector<1x16xf32>,
      %swap3A_73 = vector.shape_cast %swap3A_72 : vector<1x16xf32> to vector<16xf32>
      %swap3A_74 = vector.shape_cast %broadcast_in_dim3A_69 : vector<16xf32> to vector<1x16xf32>
      tpu.vector_store %arg10[%swap3A_70, %swap3A_71], %swap3A_74 {strides = array<i32>} : memref<208x128xf32, #tpu.memory_space<vmem>>, vector<1x16xf32>,
      %broadcast_in_dim3A_75 = arith.constant 0.000000e+00 : f32
      %broadcast_in_dim3A_76 = vector.broadcast %broadcast_in_dim3A_75 : f32 to vector<16xf32>
      %swap3A_77 = arith.index_cast %scan3A_48 : i32 to index
      %swap3A_78 = arith.constant 64 : index
      %swap3A_79 = tpu.vector_load %arg10[%swap3A_77, %swap3A_78] {strides = array<i32>} : memref<208x128xf32, #tpu.memory_space<vmem>>, vector<1x16xf32>,
      %swap3A_80 = vector.shape_cast %swap3A_79 : vector<1x16xf32> to vector<16xf32>
      %swap3A_81 = vector.shape_cast %broadcast_in_dim3A_76 : vector<16xf32> to vector<1x16xf32>
      tpu.vector_store %arg10[%swap3A_77, %swap3A_78], %swap3A_81 {strides = array<i32>} : memref<208x128xf32, #tpu.memory_space<vmem>>, vector<1x16xf32>,
      %broadcast_in_dim3A_82 = arith.constant 0.000000e+00 : f32
      %broadcast_in_dim3A_83 = vector.broadcast %broadcast_in_dim3A_82 : f32 to vector<16xf32>
      %swap3A_84 = arith.index_cast %scan3A_48 : i32 to index
      %swap3A_85 = arith.constant 80 : index
      %swap3A_86 = tpu.vector_load %arg10[%swap3A_84, %swap3A_85] {strides = array<i32>} : memref<208x128xf32, #tpu.memory_space<vmem>>, vector<1x16xf32>,
      %swap3A_87 = vector.shape_cast %swap3A_86 : vector<1x16xf32> to vector<16xf32>
      %swap3A_88 = vector.shape_cast %broadcast_in_dim3A_83 : vector<16xf32> to vector<1x16xf32>
      tpu.vector_store %arg10[%swap3A_84, %swap3A_85], %swap3A_88 {strides = array<i32>} : memref<208x128xf32, #tpu.memory_space<vmem>>, vector<1x16xf32>,
      %broadcast_in_dim3A_89 = arith.constant 0.000000e+00 : f32
      %broadcast_in_dim3A_90 = vector.broadcast %broadcast_in_dim3A_89 : f32 to vector<16xf32>
      %swap3A_91 = arith.index_cast %scan3A_48 : i32 to index
      %swap3A_92 = arith.constant 96 : index
      %swap3A_93 = tpu.vector_load %arg10[%swap3A_91, %swap3A_92] {strides = array<i32>} : memref<208x128xf32, #tpu.memory_space<vmem>>, vector<1x16xf32>,
      %swap3A_94 = vector.shape_cast %swap3A_93 : vector<1x16xf32> to vector<16xf32>
      %swap3A_95 = vector.shape_cast %broadcast_in_dim3A_90 : vector<16xf32> to vector<1x16xf32>
      tpu.vector_store %arg10[%swap3A_91, %swap3A_92], %swap3A_95 {strides = array<i32>} : memref<208x128xf32, #tpu.memory_space<vmem>>, vector<1x16xf32>,
      %broadcast_in_dim3A_96 = arith.constant 0.000000e+00 : f32
      %broadcast_in_dim3A_97 = vector.broadcast %broadcast_in_dim3A_96 : f32 to vector<16xf32>
      %swap3A_98 = arith.index_cast %scan3A_48 : i32 to index
      %swap3A_99 = arith.constant 112 : index
      %swap3A_100 = tpu.vector_load %arg10[%swap3A_98, %swap3A_99] {strides = array<i32>} : memref<208x128xf32, #tpu.memory_space<vmem>>, vector<1x16xf32>,
      %swap3A_101 = vector.shape_cast %swap3A_100 : vector<1x16xf32> to vector<16xf32>
      %swap3A_102 = vector.shape_cast %broadcast_in_dim3A_97 : vector<16xf32> to vector<1x16xf32>
      tpu.vector_store %arg10[%swap3A_98, %swap3A_99], %swap3A_102 {strides = array<i32>} : memref<208x128xf32, #tpu.memory_space<vmem>>, vector<1x16xf32>,
    }
    %scan3A_5 = arith.constant 208 : i32
    %mul3A_6 = arith.constant 624 : i32
    %mul3A_7 = arith.muli %arg1, %mul3A_6 : i32
    %add3A_8 = arith.constant 0 : i32
    %add3A_9 = arith.addi %mul3A_7, %add3A_8 : i32
    "tpu.region"() ({
      %run_scoped3A = tpu.sem_alloc : memref<!tpu.dma_semaphore, #tpu.memory_space<semaphore_mem>>
      %dma_start3A = arith.constant 0 : i32
      %dma_start3A_48 = tpu.memref_slice %arg5[%add3A_9, %dma_start3A] : memref<10000x128xf32, #tpu.memory_space<vmem_shared>> -> memref<208x128xf32, #tpu.memory_space<vmem_shared>>
      %dma_start3A_49 = arith.constant 0 : i32
      %dma_start3A_50 = tpu.memref_slice %arg5[%add3A_9, %dma_start3A_49] : memref<10000x128xf32, #tpu.memory_space<vmem_shared>> -> memref<208x128xf32, #tpu.memory_space<vmem_shared>>
      tpu.enqueue_dma source(%arg10 : memref<208x128xf32, #tpu.memory_space<vmem>>) target(%dma_start3A_50 : memref<208x128xf32, #tpu.memory_space<vmem_shared>>) target_semaphore(%run_scoped3A : memref<!tpu.dma_semaphore, #tpu.memory_space<semaphore_mem>>)
      %dma_wait3A = arith.constant 0 : i32
      %dma_wait3A_51 = tpu.memref_slice %arg5[%add3A_9, %dma_wait3A] : memref<10000x128xf32, #tpu.memory_space<vmem_shared>> -> memref<208x128xf32, #tpu.memory_space<vmem_shared>>
      %dma_wait3A_52 = arith.constant 0 : i32
      %dma_wait3A_53 = tpu.memref_slice %arg5[%add3A_9, %dma_wait3A_52] : memref<10000x128xf32, #tpu.memory_space<vmem_shared>> -> memref<208x128xf32, #tpu.memory_space<vmem_shared>>
      tpu.wait_dma2 semaphore(%run_scoped3A : memref<!tpu.dma_semaphore, #tpu.memory_space<semaphore_mem>>) src(%arg10 : memref<208x128xf32, #tpu.memory_space<vmem>>) dst(%dma_wait3A_53 : memref<208x128xf32, #tpu.memory_space<vmem_shared>>)
      tpu.yield
    }) : () -> ()
    %mul3A_10 = arith.constant 624 : i32
    %mul3A_11 = arith.muli %arg1, %mul3A_10 : i32
    %add3A_12 = arith.constant 208 : i32
    %add3A_13 = arith.addi %mul3A_11, %add3A_12 : i32
    "tpu.region"() ({
      %run_scoped3A = tpu.sem_alloc : memref<!tpu.dma_semaphore, #tpu.memory_space<semaphore_mem>>
      %dma_start3A = arith.constant 0 : i32
      %dma_start3A_48 = tpu.memref_slice %arg5[%add3A_13, %dma_start3A] : memref<10000x128xf32, #tpu.memory_space<vmem_shared>> -> memref<208x128xf32, #tpu.memory_space<vmem_shared>>
      %dma_start3A_49 = arith.constant 0 : i32
      %dma_start3A_50 = tpu.memref_slice %arg5[%add3A_13, %dma_start3A_49] : memref<10000x128xf32, #tpu.memory_space<vmem_shared>> -> memref<208x128xf32, #tpu.memory_space<vmem_shared>>
      tpu.enqueue_dma source(%arg10 : memref<208x128xf32, #tpu.memory_space<vmem>>) target(%dma_start3A_50 : memref<208x128xf32, #tpu.memory_space<vmem_shared>>) target_semaphore(%run_scoped3A : memref<!tpu.dma_semaphore, #tpu.memory_space<semaphore_mem>>)
      %dma_wait3A = arith.constant 0 : i32
      %dma_wait3A_51 = tpu.memref_slice %arg5[%add3A_13, %dma_wait3A] : memref<10000x128xf32, #tpu.memory_space<vmem_shared>> -> memref<208x128xf32, #tpu.memory_space<vmem_shared>>
      %dma_wait3A_52 = arith.constant 0 : i32
      %dma_wait3A_53 = tpu.memref_slice %arg5[%add3A_13, %dma_wait3A_52] : memref<10000x128xf32, #tpu.memory_space<vmem_shared>> -> memref<208x128xf32, #tpu.memory_space<vmem_shared>>
      tpu.wait_dma2 semaphore(%run_scoped3A : memref<!tpu.dma_semaphore, #tpu.memory_space<semaphore_mem>>) src(%arg10 : memref<208x128xf32, #tpu.memory_space<vmem>>) dst(%dma_wait3A_53 : memref<208x128xf32, #tpu.memory_space<vmem_shared>>)
      tpu.yield
    }) : () -> ()
    %mul3A_14 = arith.constant 624 : i32
    %mul3A_15 = arith.muli %arg1, %mul3A_14 : i32
    %add3A_16 = arith.constant 416 : i32
    %add3A_17 = arith.addi %mul3A_15, %add3A_16 : i32
    "tpu.region"() ({
      %run_scoped3A = tpu.sem_alloc : memref<!tpu.dma_semaphore, #tpu.memory_space<semaphore_mem>>
      %dma_start3A = arith.constant 0 : i32
      %dma_start3A_48 = tpu.memref_slice %arg5[%add3A_17, %dma_start3A] : memref<10000x128xf32, #tpu.memory_space<vmem_shared>> -> memref<208x128xf32, #tpu.memory_space<vmem_shared>>
      %dma_start3A_49 = arith.constant 0 : i32
      %dma_start3A_50 = tpu.memref_slice %arg5[%add3A_17, %dma_start3A_49] : memref<10000x128xf32, #tpu.memory_space<vmem_shared>> -> memref<208x128xf32, #tpu.memory_space<vmem_shared>>
      tpu.enqueue_dma source(%arg10 : memref<208x128xf32, #tpu.memory_space<vmem>>) target(%dma_start3A_50 : memref<208x128xf32, #tpu.memory_space<vmem_shared>>) target_semaphore(%run_scoped3A : memref<!tpu.dma_semaphore, #tpu.memory_space<semaphore_mem>>)
      %dma_wait3A = arith.constant 0 : i32
      %dma_wait3A_51 = tpu.memref_slice %arg5[%add3A_17, %dma_wait3A] : memref<10000x128xf32, #tpu.memory_space<vmem_shared>> -> memref<208x128xf32, #tpu.memory_space<vmem_shared>>
      %dma_wait3A_52 = arith.constant 0 : i32
      %dma_wait3A_53 = tpu.memref_slice %arg5[%add3A_17, %dma_wait3A_52] : memref<10000x128xf32, #tpu.memory_space<vmem_shared>> -> memref<208x128xf32, #tpu.memory_space<vmem_shared>>
      tpu.wait_dma2 semaphore(%run_scoped3A : memref<!tpu.dma_semaphore, #tpu.memory_space<semaphore_mem>>) src(%arg10 : memref<208x128xf32, #tpu.memory_space<vmem>>) dst(%dma_wait3A_53 : memref<208x128xf32, #tpu.memory_space<vmem_shared>>)
      tpu.yield
    }) : () -> ()
    %eq3A = arith.constant 0 : i32
    %eq3A_18 = arith.cmpi eq, %arg1, %eq3A : i32
    %convert_element_type3A = arith.extui %eq3A_18 : i1 to i32
    %cond3A = arith.constant 0 : i32
    %cond3A_19 = arith.cmpi ne, %convert_element_type3A, %cond3A : i32
    scf.if %cond3A_19 {
      "tpu.region"() ({
        %run_scoped3A = tpu.sem_alloc : memref<!tpu.dma_semaphore, #tpu.memory_space<semaphore_mem>>
        %dma_start3A = arith.constant 0 : i32
        %dma_start3A_48 = arith.constant 0 : i32
        %dma_start3A_49 = tpu.memref_slice %arg10[%dma_start3A, %dma_start3A_48] : memref<208x128xf32, #tpu.memory_space<vmem>> -> memref<16x128xf32, #tpu.memory_space<vmem>>
        %dma_start3A_50 = arith.constant 9984 : i32
        %dma_start3A_51 = arith.constant 0 : i32
        %dma_start3A_52 = tpu.memref_slice %arg5[%dma_start3A_50, %dma_start3A_51] : memref<10000x128xf32, #tpu.memory_space<vmem_shared>> -> memref<16x128xf32, #tpu.memory_space<vmem_shared>>
        %dma_start3A_53 = arith.constant 9984 : i32
        %dma_start3A_54 = arith.constant 0 : i32
        %dma_start3A_55 = tpu.memref_slice %arg5[%dma_start3A_53, %dma_start3A_54] : memref<10000x128xf32, #tpu.memory_space<vmem_shared>> -> memref<16x128xf32, #tpu.memory_space<vmem_shared>>
        %dma_start3A_56 = arith.constant 0 : i32
        %dma_start3A_57 = arith.constant 0 : i32
        %dma_start3A_58 = tpu.memref_slice %arg10[%dma_start3A_56, %dma_start3A_57] : memref<208x128xf32, #tpu.memory_space<vmem>> -> memref<16x128xf32, #tpu.memory_space<vmem>>
        tpu.enqueue_dma source(%dma_start3A_58 : memref<16x128xf32, #tpu.memory_space<vmem>>) target(%dma_start3A_55 : memref<16x128xf32, #tpu.memory_space<vmem_shared>>) target_semaphore(%run_scoped3A : memref<!tpu.dma_semaphore, #tpu.memory_space<semaphore_mem>>)
        %dma_wait3A = arith.constant 0 : i32
        %dma_wait3A_59 = arith.constant 0 : i32
        %dma_wait3A_60 = tpu.memref_slice %arg10[%dma_wait3A, %dma_wait3A_59] : memref<208x128xf32, #tpu.memory_space<vmem>> -> memref<16x128xf32, #tpu.memory_space<vmem>>
        %dma_wait3A_61 = arith.constant 9984 : i32
        %dma_wait3A_62 = arith.constant 0 : i32
        %dma_wait3A_63 = tpu.memref_slice %arg5[%dma_wait3A_61, %dma_wait3A_62] : memref<10000x128xf32, #tpu.memory_space<vmem_shared>> -> memref<16x128xf32, #tpu.memory_space<vmem_shared>>
        %dma_wait3A_64 = arith.constant 9984 : i32
        %dma_wait3A_65 = arith.constant 0 : i32
        %dma_wait3A_66 = tpu.memref_slice %arg5[%dma_wait3A_64, %dma_wait3A_65] : memref<10000x128xf32, #tpu.memory_space<vmem_shared>> -> memref<16x128xf32, #tpu.memory_space<vmem_shared>>
        %dma_wait3A_67 = arith.constant 0 : i32
        %dma_wait3A_68 = arith.constant 0 : i32
        %dma_wait3A_69 = tpu.memref_slice %arg10[%dma_wait3A_67, %dma_wait3A_68] : memref<208x128xf32, #tpu.memory_space<vmem>> -> memref<16x128xf32, #tpu.memory_space<vmem>>
        tpu.wait_dma2 semaphore(%run_scoped3A : memref<!tpu.dma_semaphore, #tpu.memory_space<semaphore_mem>>) src(%dma_wait3A_69 : memref<16x128xf32, #tpu.memory_space<vmem>>) dst(%dma_wait3A_66 : memref<16x128xf32, #tpu.memory_space<vmem_shared>>)
        tpu.yield
      }) : () -> ()
    } else {
    }
    %barrier3A = arith.constant 0 : index
    tpu.barrier barrier_id(%barrier3A)
    %mul3A_20 = arith.constant 10000 : i32
    %mul3A_21 = arith.muli %add3A, %mul3A_20 : i32
    %scan3A_22 = arith.constant 0 : i32
    %scan3A_23 = arith.constant 0 : i32
    %scan3A_24 = arith.constant 78 : i32
    %scan3A_25 = arith.addi %scan3A_23, %scan3A_24 : i32
    %scan3A_26 = arith.constant 1 : i32
    scf.for %scan3A_48 = %scan3A_23 to %scan3A_25 step %scan3A_26  : i32 {
      %mul3A_49 = arith.constant 128 : i32
      %mul3A_50 = arith.muli %scan3A_48, %mul3A_49 : i32
      %add3A_51 = arith.addi %mul3A_21, %mul3A_50 : i32
      %multiple_of3A_52 = tpu.assume_multiple %add3A_51, 8 : i32
      "tpu.region"() ({
        %run_scoped3A = tpu.sem_alloc : memref<!tpu.dma_semaphore, #tpu.memory_space<semaphore_mem>>
        %dma_start3A = tpu.memref_slice %arg3[%multiple_of3A_52] : memref<320000xi32, #tpu.memory_space<hbm>> -> memref<128xi32, #tpu.memory_space<hbm>>
        %dma_start3A_53 = tpu.memref_slice %arg3[%multiple_of3A_52] : memref<320000xi32, #tpu.memory_space<hbm>> -> memref<128xi32, #tpu.memory_space<hbm>>
        tpu.enqueue_dma source(%dma_start3A_53 : memref<128xi32, #tpu.memory_space<hbm>>) target(%arg7 : memref<128xi32, #tpu.memory_space<vmem>>) target_semaphore(%run_scoped3A : memref<!tpu.dma_semaphore, #tpu.memory_space<semaphore_mem>>)
        %dma_wait3A = tpu.memref_slice %arg3[%multiple_of3A_52] : memref<320000xi32, #tpu.memory_space<hbm>> -> memref<128xi32, #tpu.memory_space<hbm>>
        %dma_wait3A_54 = tpu.memref_slice %arg3[%multiple_of3A_52] : memref<320000xi32, #tpu.memory_space<hbm>> -> memref<128xi32, #tpu.memory_space<hbm>>
        tpu.wait_dma2 semaphore(%run_scoped3A : memref<!tpu.dma_semaphore, #tpu.memory_space<semaphore_mem>>) src(%dma_wait3A_54 : memref<128xi32, #tpu.memory_space<hbm>>) dst(%arg7 : memref<128xi32, #tpu.memory_space<vmem>>)
        tpu.yield
      }) : () -> ()
      "tpu.region"() ({
        %run_scoped3A = tpu.sem_alloc : memref<!tpu.dma_semaphore, #tpu.memory_space<semaphore_mem>>
        %dma_start3A = arith.constant 0 : i32
        %dma_start3A_53 = tpu.memref_slice %arg2[%multiple_of3A_52, %dma_start3A] : memref<320000x128xf32, #tpu.memory_space<hbm>> -> memref<128x128xf32, #tpu.memory_space<hbm>>
        %dma_start3A_54 = arith.constant 0 : i32
        %dma_start3A_55 = tpu.memref_slice %arg2[%multiple_of3A_52, %dma_start3A_54] : memref<320000x128xf32, #tpu.memory_space<hbm>> -> memref<128x128xf32, #tpu.memory_space<hbm>>
        tpu.enqueue_dma source(%dma_start3A_55 : memref<128x128xf32, #tpu.memory_space<hbm>>) target(%arg6 : memref<128x128xf32, #tpu.memory_space<vmem>>) target_semaphore(%run_scoped3A : memref<!tpu.dma_semaphore, #tpu.memory_space<semaphore_mem>>)
        %dma_wait3A = arith.constant 0 : i32
        %dma_wait3A_56 = tpu.memref_slice %arg2[%multiple_of3A_52, %dma_wait3A] : memref<320000x128xf32, #tpu.memory_space<hbm>> -> memref<128x128xf32, #tpu.memory_space<hbm>>
        %dma_wait3A_57 = arith.constant 0 : i32
        %dma_wait3A_58 = tpu.memref_slice %arg2[%multiple_of3A_52, %dma_wait3A_57] : memref<320000x128xf32, #tpu.memory_space<hbm>> -> memref<128x128xf32, #tpu.memory_space<hbm>>
        tpu.wait_dma2 semaphore(%run_scoped3A : memref<!tpu.dma_semaphore, #tpu.memory_space<semaphore_mem>>) src(%dma_wait3A_58 : memref<128x128xf32, #tpu.memory_space<hbm>>) dst(%arg6 : memref<128x128xf32, #tpu.memory_space<vmem>>)
        tpu.yield
      }) : () -> ()
      "tpu.region"() ({
        %run_scoped3A = tpu.sem_alloc : memref<!tpu.dma_semaphore, #tpu.memory_space<semaphore_mem>>
        %dma_start3A = arith.constant 0 : i32
        %dma_start3A_53 = arith.constant 0 : i32
        %dma_start3A_54 = tpu.memref_slice %arg5[%dma_start3A, %dma_start3A_53] : memref<10000x128xf32, #tpu.memory_space<vmem_shared>> -> memref<10000x128xf32, #tpu.memory_space<vmem_shared>>
        tpu.enqueue_indirect_dma source(%arg6 : memref<128x128xf32, #tpu.memory_space<vmem>>) target(%dma_start3A_54 : memref<10000x128xf32, #tpu.memory_space<vmem_shared>>) offsets(%arg7 : memref<128xi32, #tpu.memory_space<vmem>>) semaphore(%run_scoped3A : memref<!tpu.dma_semaphore, #tpu.memory_space<semaphore_mem>>) {add = true}
        %dma_wait3A = arith.constant 0 : i32
        %dma_wait3A_55 = arith.constant 0 : i32
        %dma_wait3A_56 = tpu.memref_slice %arg5[%dma_wait3A, %dma_wait3A_55] : memref<10000x128xf32, #tpu.memory_space<vmem_shared>> -> memref<10000x128xf32, #tpu.memory_space<vmem_shared>>
        tpu.wait_indirect_dma semaphore(%run_scoped3A : memref<!tpu.dma_semaphore, #tpu.memory_space<semaphore_mem>>) src(%arg6 : memref<128x128xf32, #tpu.memory_space<vmem>>) dst(%dma_wait3A_56 : memref<10000x128xf32, #tpu.memory_space<vmem_shared>>)
        tpu.yield
      }) : () -> ()
    }
    %scan3A_27 = arith.constant 78 : i32
    %add3A_28 = arith.constant 9984 : i32
    %add3A_29 = arith.addi %mul3A_21, %add3A_28 : i32
    %multiple_of3A = tpu.assume_multiple %add3A_29, 8 : i32
    "tpu.region"() ({
      %run_scoped3A = tpu.sem_alloc : memref<!tpu.dma_semaphore, #tpu.memory_space<semaphore_mem>>
      %dma_start3A = tpu.memref_slice %arg3[%multiple_of3A] : memref<320000xi32, #tpu.memory_space<hbm>> -> memref<16xi32, #tpu.memory_space<hbm>>
      %dma_start3A_48 = tpu.memref_slice %arg3[%multiple_of3A] : memref<320000xi32, #tpu.memory_space<hbm>> -> memref<16xi32, #tpu.memory_space<hbm>>
      tpu.enqueue_dma source(%dma_start3A_48 : memref<16xi32, #tpu.memory_space<hbm>>) target(%arg9 : memref<16xi32, #tpu.memory_space<vmem>>) target_semaphore(%run_scoped3A : memref<!tpu.dma_semaphore, #tpu.memory_space<semaphore_mem>>)
      %dma_wait3A = tpu.memref_slice %arg3[%multiple_of3A] : memref<320000xi32, #tpu.memory_space<hbm>> -> memref<16xi32, #tpu.memory_space<hbm>>
      %dma_wait3A_49 = tpu.memref_slice %arg3[%multiple_of3A] : memref<320000xi32, #tpu.memory_space<hbm>> -> memref<16xi32, #tpu.memory_space<hbm>>
      tpu.wait_dma2 semaphore(%run_scoped3A : memref<!tpu.dma_semaphore, #tpu.memory_space<semaphore_mem>>) src(%dma_wait3A_49 : memref<16xi32, #tpu.memory_space<hbm>>) dst(%arg9 : memref<16xi32, #tpu.memory_space<vmem>>)
      tpu.yield
    }) : () -> ()
    "tpu.region"() ({
      %run_scoped3A = tpu.sem_alloc : memref<!tpu.dma_semaphore, #tpu.memory_space<semaphore_mem>>
      %dma_start3A = arith.constant 0 : i32
      %dma_start3A_48 = tpu.memref_slice %arg2[%multiple_of3A, %dma_start3A] : memref<320000x128xf32, #tpu.memory_space<hbm>> -> memref<16x128xf32, #tpu.memory_space<hbm>>
      %dma_start3A_49 = arith.constant 0 : i32
      %dma_start3A_50 = tpu.memref_slice %arg2[%multiple_of3A, %dma_start3A_49] : memref<320000x128xf32, #tpu.memory_space<hbm>> -> memref<16x128xf32, #tpu.memory_space<hbm>>
      tpu.enqueue_dma source(%dma_start3A_50 : memref<16x128xf32, #tpu.memory_space<hbm>>) target(%arg8 : memref<16x128xf32, #tpu.memory_space<vmem>>) target_semaphore(%run_scoped3A : memref<!tpu.dma_semaphore, #tpu.memory_space<semaphore_mem>>)
      %dma_wait3A = arith.constant 0 : i32
      %dma_wait3A_51 = tpu.memref_slice %arg2[%multiple_of3A, %dma_wait3A] : memref<320000x128xf32, #tpu.memory_space<hbm>> -> memref<16x128xf32, #tpu.memory_space<hbm>>
      %dma_wait3A_52 = arith.constant 0 : i32
      %dma_wait3A_53 = tpu.memref_slice %arg2[%multiple_of3A, %dma_wait3A_52] : memref<320000x128xf32, #tpu.memory_space<hbm>> -> memref<16x128xf32, #tpu.memory_space<hbm>>
      tpu.wait_dma2 semaphore(%run_scoped3A : memref<!tpu.dma_semaphore, #tpu.memory_space<semaphore_mem>>) src(%dma_wait3A_53 : memref<16x128xf32, #tpu.memory_space<hbm>>) dst(%arg8 : memref<16x128xf32, #tpu.memory_space<vmem>>)
      tpu.yield
    }) : () -> ()
    "tpu.region"() ({
      %run_scoped3A = tpu.sem_alloc : memref<!tpu.dma_semaphore, #tpu.memory_space<semaphore_mem>>
      %dma_start3A = arith.constant 0 : i32
      %dma_start3A_48 = arith.constant 0 : i32
      %dma_start3A_49 = tpu.memref_slice %arg5[%dma_start3A, %dma_start3A_48] : memref<10000x128xf32, #tpu.memory_space<vmem_shared>> -> memref<10000x128xf32, #tpu.memory_space<vmem_shared>>
      tpu.enqueue_indirect_dma source(%arg8 : memref<16x128xf32, #tpu.memory_space<vmem>>) target(%dma_start3A_49 : memref<10000x128xf32, #tpu.memory_space<vmem_shared>>) offsets(%arg9 : memref<16xi32, #tpu.memory_space<vmem>>) semaphore(%run_scoped3A : memref<!tpu.dma_semaphore, #tpu.memory_space<semaphore_mem>>) {add = true}
      %dma_wait3A = arith.constant 0 : i32
      %dma_wait3A_50 = arith.constant 0 : i32
      %dma_wait3A_51 = tpu.memref_slice %arg5[%dma_wait3A, %dma_wait3A_50] : memref<10000x128xf32, #tpu.memory_space<vmem_shared>> -> memref<10000x128xf32, #tpu.memory_space<vmem_shared>>
      tpu.wait_indirect_dma semaphore(%run_scoped3A : memref<!tpu.dma_semaphore, #tpu.memory_space<semaphore_mem>>) src(%arg8 : memref<16x128xf32, #tpu.memory_space<vmem>>) dst(%dma_wait3A_51 : memref<10000x128xf32, #tpu.memory_space<vmem_shared>>)
      tpu.yield
    }) : () -> ()
    %barrier3A_30 = arith.constant 0 : index
    tpu.barrier barrier_id(%barrier3A_30)
    %mul3A_31 = arith.constant 624 : i32
    %mul3A_32 = arith.muli %arg1, %mul3A_31 : i32
    %add3A_33 = arith.constant 0 : i32
    %add3A_34 = arith.addi %mul3A_32, %add3A_33 : i32
    "tpu.region"() ({
      %run_scoped3A = tpu.sem_alloc : memref<!tpu.dma_semaphore, #tpu.memory_space<semaphore_mem>>
      %dma_start3A = arith.constant 0 : i32
      %dma_start3A_48 = tpu.memref_slice %arg5[%add3A_34, %dma_start3A] : memref<10000x128xf32, #tpu.memory_space<vmem_shared>> -> memref<208x128xf32, #tpu.memory_space<vmem_shared>>
      %dma_start3A_49 = arith.constant 0 : i32
      %dma_start3A_50 = tpu.memref_slice %arg5[%add3A_34, %dma_start3A_49] : memref<10000x128xf32, #tpu.memory_space<vmem_shared>> -> memref<208x128xf32, #tpu.memory_space<vmem_shared>>
      tpu.enqueue_dma source(%dma_start3A_50 : memref<208x128xf32, #tpu.memory_space<vmem_shared>>) target(%arg10 : memref<208x128xf32, #tpu.memory_space<vmem>>) target_semaphore(%run_scoped3A : memref<!tpu.dma_semaphore, #tpu.memory_space<semaphore_mem>>)
      %dma_wait3A = arith.constant 0 : i32
      %dma_wait3A_51 = tpu.memref_slice %arg5[%add3A_34, %dma_wait3A] : memref<10000x128xf32, #tpu.memory_space<vmem_shared>> -> memref<208x128xf32, #tpu.memory_space<vmem_shared>>
      %dma_wait3A_52 = arith.constant 0 : i32
      %dma_wait3A_53 = tpu.memref_slice %arg5[%add3A_34, %dma_wait3A_52] : memref<10000x128xf32, #tpu.memory_space<vmem_shared>> -> memref<208x128xf32, #tpu.memory_space<vmem_shared>>
      tpu.wait_dma2 semaphore(%run_scoped3A : memref<!tpu.dma_semaphore, #tpu.memory_space<semaphore_mem>>) src(%dma_wait3A_53 : memref<208x128xf32, #tpu.memory_space<vmem_shared>>) dst(%arg10 : memref<208x128xf32, #tpu.memory_space<vmem>>)
      tpu.yield
    }) : () -> ()
    "tpu.region"() ({
      %run_scoped3A = tpu.sem_alloc : memref<!tpu.dma_semaphore, #tpu.memory_space<semaphore_mem>>
      %dma_start3A = arith.constant 0 : i32
      %dma_start3A_48 = arith.constant 0 : i32
      %dma_start3A_49 = tpu.memref_slice %arg4[%arg0, %dma_start3A, %dma_start3A_48] : memref<2x10000x128xf32, #tpu.memory_space<hbm>> -> memref<1x10000x128xf32, #tpu.memory_space<hbm>>
      %dma_start3A_50 = tpu.memref_squeeze %dma_start3A_49 : memref<1x10000x128xf32, #tpu.memory_space<hbm>> -> memref<10000x128xf32, #tpu.memory_space<hbm>>
      %dma_start3A_51 = arith.constant 0 : i32
      %dma_start3A_52 = tpu.memref_slice %dma_start3A_50[%add3A_34, %dma_start3A_51] : memref<10000x128xf32, #tpu.memory_space<hbm>> -> memref<208x128xf32, #tpu.memory_space<hbm>>
      %dma_start3A_53 = arith.constant 0 : i32
      %dma_start3A_54 = arith.constant 0 : i32
      %dma_start3A_55 = tpu.memref_slice %arg4[%arg0, %dma_start3A_53, %dma_start3A_54] : memref<2x10000x128xf32, #tpu.memory_space<hbm>> -> memref<1x10000x128xf32, #tpu.memory_space<hbm>>
      %dma_start3A_56 = tpu.memref_squeeze %dma_start3A_55 : memref<1x10000x128xf32, #tpu.memory_space<hbm>> -> memref<10000x128xf32, #tpu.memory_space<hbm>>
      %dma_start3A_57 = arith.constant 0 : i32
      %dma_start3A_58 = tpu.memref_slice %dma_start3A_56[%add3A_34, %dma_start3A_57] : memref<10000x128xf32, #tpu.memory_space<hbm>> -> memref<208x128xf32, #tpu.memory_space<hbm>>
      tpu.enqueue_dma source(%arg10 : memref<208x128xf32, #tpu.memory_space<vmem>>) target(%dma_start3A_58 : memref<208x128xf32, #tpu.memory_space<hbm>>) target_semaphore(%run_scoped3A : memref<!tpu.dma_semaphore, #tpu.memory_space<semaphore_mem>>)
      %dma_wait3A = arith.constant 0 : i32
      %dma_wait3A_59 = arith.constant 0 : i32
      %dma_wait3A_60 = tpu.memref_slice %arg4[%arg0, %dma_wait3A, %dma_wait3A_59] : memref<2x10000x128xf32, #tpu.memory_space<hbm>> -> memref<1x10000x128xf32, #tpu.memory_space<hbm>>
      %dma_wait3A_61 = tpu.memref_squeeze %dma_wait3A_60 : memref<1x10000x128xf32, #tpu.memory_space<hbm>> -> memref<10000x128xf32, #tpu.memory_space<hbm>>
      %dma_wait3A_62 = arith.constant 0 : i32
      %dma_wait3A_63 = tpu.memref_slice %dma_wait3A_61[%add3A_34, %dma_wait3A_62] : memref<10000x128xf32, #tpu.memory_space<hbm>> -> memref<208x128xf32, #tpu.memory_space<hbm>>
      %dma_wait3A_64 = arith.constant 0 : i32
      %dma_wait3A_65 = arith.constant 0 : i32
      %dma_wait3A_66 = tpu.memref_slice %arg4[%arg0, %dma_wait3A_64, %dma_wait3A_65] : memref<2x10000x128xf32, #tpu.memory_space<hbm>> -> memref<1x10000x128xf32, #tpu.memory_space<hbm>>
      %dma_wait3A_67 = tpu.memref_squeeze %dma_wait3A_66 : memref<1x10000x128xf32, #tpu.memory_space<hbm>> -> memref<10000x128xf32, #tpu.memory_space<hbm>>
      %dma_wait3A_68 = arith.constant 0 : i32
      %dma_wait3A_69 = tpu.memref_slice %dma_wait3A_67[%add3A_34, %dma_wait3A_68] : memref<10000x128xf32, #tpu.memory_space<hbm>> -> memref<208x128xf32, #tpu.memory_space<hbm>>
      tpu.wait_dma2 semaphore(%run_scoped3A : memref<!tpu.dma_semaphore, #tpu.memory_space<semaphore_mem>>) src(%arg10 : memref<208x128xf32, #tpu.memory_space<vmem>>) dst(%dma_wait3A_69 : memref<208x128xf32, #tpu.memory_space<hbm>>)
      tpu.yield
    }) : () -> ()
    %mul3A_35 = arith.constant 624 : i32
    %mul3A_36 = arith.muli %arg1, %mul3A_35 : i32
    %add3A_37 = arith.constant 208 : i32
    %add3A_38 = arith.addi %mul3A_36, %add3A_37 : i32
    "tpu.region"() ({
      %run_scoped3A = tpu.sem_alloc : memref<!tpu.dma_semaphore, #tpu.memory_space<semaphore_mem>>
      %dma_start3A = arith.constant 0 : i32
      %dma_start3A_48 = tpu.memref_slice %arg5[%add3A_38, %dma_start3A] : memref<10000x128xf32, #tpu.memory_space<vmem_shared>> -> memref<208x128xf32, #tpu.memory_space<vmem_shared>>
      %dma_start3A_49 = arith.constant 0 : i32
      %dma_start3A_50 = tpu.memref_slice %arg5[%add3A_38, %dma_start3A_49] : memref<10000x128xf32, #tpu.memory_space<vmem_shared>> -> memref<208x128xf32, #tpu.memory_space<vmem_shared>>
      tpu.enqueue_dma source(%dma_start3A_50 : memref<208x128xf32, #tpu.memory_space<vmem_shared>>) target(%arg10 : memref<208x128xf32, #tpu.memory_space<vmem>>) target_semaphore(%run_scoped3A : memref<!tpu.dma_semaphore, #tpu.memory_space<semaphore_mem>>)
      %dma_wait3A = arith.constant 0 : i32
      %dma_wait3A_51 = tpu.memref_slice %arg5[%add3A_38, %dma_wait3A] : memref<10000x128xf32, #tpu.memory_space<vmem_shared>> -> memref<208x128xf32, #tpu.memory_space<vmem_shared>>
      %dma_wait3A_52 = arith.constant 0 : i32
      %dma_wait3A_53 = tpu.memref_slice %arg5[%add3A_38, %dma_wait3A_52] : memref<10000x128xf32, #tpu.memory_space<vmem_shared>> -> memref<208x128xf32, #tpu.memory_space<vmem_shared>>
      tpu.wait_dma2 semaphore(%run_scoped3A : memref<!tpu.dma_semaphore, #tpu.memory_space<semaphore_mem>>) src(%dma_wait3A_53 : memref<208x128xf32, #tpu.memory_space<vmem_shared>>) dst(%arg10 : memref<208x128xf32, #tpu.memory_space<vmem>>)
      tpu.yield
    }) : () -> ()
    "tpu.region"() ({
      %run_scoped3A = tpu.sem_alloc : memref<!tpu.dma_semaphore, #tpu.memory_space<semaphore_mem>>
      %dma_start3A = arith.constant 0 : i32
      %dma_start3A_48 = arith.constant 0 : i32
      %dma_start3A_49 = tpu.memref_slice %arg4[%arg0, %dma_start3A, %dma_start3A_48] : memref<2x10000x128xf32, #tpu.memory_space<hbm>> -> memref<1x10000x128xf32, #tpu.memory_space<hbm>>
      %dma_start3A_50 = tpu.memref_squeeze %dma_start3A_49 : memref<1x10000x128xf32, #tpu.memory_space<hbm>> -> memref<10000x128xf32, #tpu.memory_space<hbm>>
      %dma_start3A_51 = arith.constant 0 : i32
      %dma_start3A_52 = tpu.memref_slice %dma_start3A_50[%add3A_38, %dma_start3A_51] : memref<10000x128xf32, #tpu.memory_space<hbm>> -> memref<208x128xf32, #tpu.memory_space<hbm>>
      %dma_start3A_53 = arith.constant 0 : i32
      %dma_start3A_54 = arith.constant 0 : i32
      %dma_start3A_55 = tpu.memref_slice %arg4[%arg0, %dma_start3A_53, %dma_start3A_54] : memref<2x10000x128xf32, #tpu.memory_space<hbm>> -> memref<1x10000x128xf32, #tpu.memory_space<hbm>>
      %dma_start3A_56 = tpu.memref_squeeze %dma_start3A_55 : memref<1x10000x128xf32, #tpu.memory_space<hbm>> -> memref<10000x128xf32, #tpu.memory_space<hbm>>
      %dma_start3A_57 = arith.constant 0 : i32
      %dma_start3A_58 = tpu.memref_slice %dma_start3A_56[%add3A_38, %dma_start3A_57] : memref<10000x128xf32, #tpu.memory_space<hbm>> -> memref<208x128xf32, #tpu.memory_space<hbm>>
      tpu.enqueue_dma source(%arg10 : memref<208x128xf32, #tpu.memory_space<vmem>>) target(%dma_start3A_58 : memref<208x128xf32, #tpu.memory_space<hbm>>) target_semaphore(%run_scoped3A : memref<!tpu.dma_semaphore, #tpu.memory_space<semaphore_mem>>)
      %dma_wait3A = arith.constant 0 : i32
      %dma_wait3A_59 = arith.constant 0 : i32
      %dma_wait3A_60 = tpu.memref_slice %arg4[%arg0, %dma_wait3A, %dma_wait3A_59] : memref<2x10000x128xf32, #tpu.memory_space<hbm>> -> memref<1x10000x128xf32, #tpu.memory_space<hbm>>
      %dma_wait3A_61 = tpu.memref_squeeze %dma_wait3A_60 : memref<1x10000x128xf32, #tpu.memory_space<hbm>> -> memref<10000x128xf32, #tpu.memory_space<hbm>>
      %dma_wait3A_62 = arith.constant 0 : i32
      %dma_wait3A_63 = tpu.memref_slice %dma_wait3A_61[%add3A_38, %dma_wait3A_62] : memref<10000x128xf32, #tpu.memory_space<hbm>> -> memref<208x128xf32, #tpu.memory_space<hbm>>
      %dma_wait3A_64 = arith.constant 0 : i32
      %dma_wait3A_65 = arith.constant 0 : i32
      %dma_wait3A_66 = tpu.memref_slice %arg4[%arg0, %dma_wait3A_64, %dma_wait3A_65] : memref<2x10000x128xf32, #tpu.memory_space<hbm>> -> memref<1x10000x128xf32, #tpu.memory_space<hbm>>
      %dma_wait3A_67 = tpu.memref_squeeze %dma_wait3A_66 : memref<1x10000x128xf32, #tpu.memory_space<hbm>> -> memref<10000x128xf32, #tpu.memory_space<hbm>>
      %dma_wait3A_68 = arith.constant 0 : i32
      %dma_wait3A_69 = tpu.memref_slice %dma_wait3A_67[%add3A_38, %dma_wait3A_68] : memref<10000x128xf32, #tpu.memory_space<hbm>> -> memref<208x128xf32, #tpu.memory_space<hbm>>
      tpu.wait_dma2 semaphore(%run_scoped3A : memref<!tpu.dma_semaphore, #tpu.memory_space<semaphore_mem>>) src(%arg10 : memref<208x128xf32, #tpu.memory_space<vmem>>) dst(%dma_wait3A_69 : memref<208x128xf32, #tpu.memory_space<hbm>>)
      tpu.yield
    }) : () -> ()
    %mul3A_39 = arith.constant 624 : i32
    %mul3A_40 = arith.muli %arg1, %mul3A_39 : i32
    %add3A_41 = arith.constant 416 : i32
    %add3A_42 = arith.addi %mul3A_40, %add3A_41 : i32
    "tpu.region"() ({
      %run_scoped3A = tpu.sem_alloc : memref<!tpu.dma_semaphore, #tpu.memory_space<semaphore_mem>>
      %dma_start3A = arith.constant 0 : i32
      %dma_start3A_48 = tpu.memref_slice %arg5[%add3A_42, %dma_start3A] : memref<10000x128xf32, #tpu.memory_space<vmem_shared>> -> memref<208x128xf32, #tpu.memory_space<vmem_shared>>
      %dma_start3A_49 = arith.constant 0 : i32
      %dma_start3A_50 = tpu.memref_slice %arg5[%add3A_42, %dma_start3A_49] : memref<10000x128xf32, #tpu.memory_space<vmem_shared>> -> memref<208x128xf32, #tpu.memory_space<vmem_shared>>
      tpu.enqueue_dma source(%dma_start3A_50 : memref<208x128xf32, #tpu.memory_space<vmem_shared>>) target(%arg10 : memref<208x128xf32, #tpu.memory_space<vmem>>) target_semaphore(%run_scoped3A : memref<!tpu.dma_semaphore, #tpu.memory_space<semaphore_mem>>)
      %dma_wait3A = arith.constant 0 : i32
      %dma_wait3A_51 = tpu.memref_slice %arg5[%add3A_42, %dma_wait3A] : memref<10000x128xf32, #tpu.memory_space<vmem_shared>> -> memref<208x128xf32, #tpu.memory_space<vmem_shared>>
      %dma_wait3A_52 = arith.constant 0 : i32
      %dma_wait3A_53 = tpu.memref_slice %arg5[%add3A_42, %dma_wait3A_52] : memref<10000x128xf32, #tpu.memory_space<vmem_shared>> -> memref<208x128xf32, #tpu.memory_space<vmem_shared>>
      tpu.wait_dma2 semaphore(%run_scoped3A : memref<!tpu.dma_semaphore, #tpu.memory_space<semaphore_mem>>) src(%dma_wait3A_53 : memref<208x128xf32, #tpu.memory_space<vmem_shared>>) dst(%arg10 : memref<208x128xf32, #tpu.memory_space<vmem>>)
      tpu.yield
    }) : () -> ()
    "tpu.region"() ({
      %run_scoped3A = tpu.sem_alloc : memref<!tpu.dma_semaphore, #tpu.memory_space<semaphore_mem>>
      %dma_start3A = arith.constant 0 : i32
      %dma_start3A_48 = arith.constant 0 : i32
      %dma_start3A_49 = tpu.memref_slice %arg4[%arg0, %dma_start3A, %dma_start3A_48] : memref<2x10000x128xf32, #tpu.memory_space<hbm>> -> memref<1x10000x128xf32, #tpu.memory_space<hbm>>
      %dma_start3A_50 = tpu.memref_squeeze %dma_start3A_49 : memref<1x10000x128xf32, #tpu.memory_space<hbm>> -> memref<10000x128xf32, #tpu.memory_space<hbm>>
      %dma_start3A_51 = arith.constant 0 : i32
      %dma_start3A_52 = tpu.memref_slice %dma_start3A_50[%add3A_42, %dma_start3A_51] : memref<10000x128xf32, #tpu.memory_space<hbm>> -> memref<208x128xf32, #tpu.memory_space<hbm>>
      %dma_start3A_53 = arith.constant 0 : i32
      %dma_start3A_54 = arith.constant 0 : i32
      %dma_start3A_55 = tpu.memref_slice %arg4[%arg0, %dma_start3A_53, %dma_start3A_54] : memref<2x10000x128xf32, #tpu.memory_space<hbm>> -> memref<1x10000x128xf32, #tpu.memory_space<hbm>>
      %dma_start3A_56 = tpu.memref_squeeze %dma_start3A_55 : memref<1x10000x128xf32, #tpu.memory_space<hbm>> -> memref<10000x128xf32, #tpu.memory_space<hbm>>
      %dma_start3A_57 = arith.constant 0 : i32
      %dma_start3A_58 = tpu.memref_slice %dma_start3A_56[%add3A_42, %dma_start3A_57] : memref<10000x128xf32, #tpu.memory_space<hbm>> -> memref<208x128xf32, #tpu.memory_space<hbm>>
      tpu.enqueue_dma source(%arg10 : memref<208x128xf32, #tpu.memory_space<vmem>>) target(%dma_start3A_58 : memref<208x128xf32, #tpu.memory_space<hbm>>) target_semaphore(%run_scoped3A : memref<!tpu.dma_semaphore, #tpu.memory_space<semaphore_mem>>)
      %dma_wait3A = arith.constant 0 : i32
      %dma_wait3A_59 = arith.constant 0 : i32
      %dma_wait3A_60 = tpu.memref_slice %arg4[%arg0, %dma_wait3A, %dma_wait3A_59] : memref<2x10000x128xf32, #tpu.memory_space<hbm>> -> memref<1x10000x128xf32, #tpu.memory_space<hbm>>
      %dma_wait3A_61 = tpu.memref_squeeze %dma_wait3A_60 : memref<1x10000x128xf32, #tpu.memory_space<hbm>> -> memref<10000x128xf32, #tpu.memory_space<hbm>>
      %dma_wait3A_62 = arith.constant 0 : i32
      %dma_wait3A_63 = tpu.memref_slice %dma_wait3A_61[%add3A_42, %dma_wait3A_62] : memref<10000x128xf32, #tpu.memory_space<hbm>> -> memref<208x128xf32, #tpu.memory_space<hbm>>
      %dma_wait3A_64 = arith.constant 0 : i32
      %dma_wait3A_65 = arith.constant 0 : i32
      %dma_wait3A_66 = tpu.memref_slice %arg4[%arg0, %dma_wait3A_64, %dma_wait3A_65] : memref<2x10000x128xf32, #tpu.memory_space<hbm>> -> memref<1x10000x128xf32, #tpu.memory_space<hbm>>
      %dma_wait3A_67 = tpu.memref_squeeze %dma_wait3A_66 : memref<1x10000x128xf32, #tpu.memory_space<hbm>> -> memref<10000x128xf32, #tpu.memory_space<hbm>>
      %dma_wait3A_68 = arith.constant 0 : i32
      %dma_wait3A_69 = tpu.memref_slice %dma_wait3A_67[%add3A_42, %dma_wait3A_68] : memref<10000x128xf32, #tpu.memory_space<hbm>> -> memref<208x128xf32, #tpu.memory_space<hbm>>
      tpu.wait_dma2 semaphore(%run_scoped3A : memref<!tpu.dma_semaphore, #tpu.memory_space<semaphore_mem>>) src(%arg10 : memref<208x128xf32, #tpu.memory_space<vmem>>) dst(%dma_wait3A_69 : memref<208x128xf32, #tpu.memory_space<hbm>>)
      tpu.yield
    }) : () -> ()
    %eq3A_43 = arith.constant 0 : i32
    %eq3A_44 = arith.cmpi eq, %arg1, %eq3A_43 : i32
    %convert_element_type3A_45 = arith.extui %eq3A_44 : i1 to i32
    %cond3A_46 = arith.constant 0 : i32
    %cond3A_47 = arith.cmpi ne, %convert_element_type3A_45, %cond3A_46 : i32
    scf.if %cond3A_47 {
      "tpu.region"() ({
        %run_scoped3A = tpu.sem_alloc : memref<!tpu.dma_semaphore, #tpu.memory_space<semaphore_mem>>
        %dma_start3A = arith.constant 0 : i32
        %dma_start3A_48 = arith.constant 0 : i32
        %dma_start3A_49 = tpu.memref_slice %arg10[%dma_start3A, %dma_start3A_48] : memref<208x128xf32, #tpu.memory_space<vmem>> -> memref<16x128xf32, #tpu.memory_space<vmem>>
        %dma_start3A_50 = arith.constant 9984 : i32
        %dma_start3A_51 = arith.constant 0 : i32
        %dma_start3A_52 = tpu.memref_slice %arg5[%dma_start3A_50, %dma_start3A_51] : memref<10000x128xf32, #tpu.memory_space<vmem_shared>> -> memref<16x128xf32, #tpu.memory_space<vmem_shared>>
        %dma_start3A_53 = arith.constant 0 : i32
        %dma_start3A_54 = arith.constant 0 : i32
        %dma_start3A_55 = tpu.memref_slice %arg10[%dma_start3A_53, %dma_start3A_54] : memref<208x128xf32, #tpu.memory_space<vmem>> -> memref<16x128xf32, #tpu.memory_space<vmem>>
        %dma_start3A_56 = arith.constant 9984 : i32
        %dma_start3A_57 = arith.constant 0 : i32
        %dma_start3A_58 = tpu.memref_slice %arg5[%dma_start3A_56, %dma_start3A_57] : memref<10000x128xf32, #tpu.memory_space<vmem_shared>> -> memref<16x128xf32, #tpu.memory_space<vmem_shared>>
        tpu.enqueue_dma source(%dma_start3A_58 : memref<16x128xf32, #tpu.memory_space<vmem_shared>>) target(%dma_start3A_55 : memref<16x128xf32, #tpu.memory_space<vmem>>) target_semaphore(%run_scoped3A : memref<!tpu.dma_semaphore, #tpu.memory_space<semaphore_mem>>)
        %dma_wait3A = arith.constant 0 : i32
        %dma_wait3A_59 = arith.constant 0 : i32
        %dma_wait3A_60 = tpu.memref_slice %arg10[%dma_wait3A, %dma_wait3A_59] : memref<208x128xf32, #tpu.memory_space<vmem>> -> memref<16x128xf32, #tpu.memory_space<vmem>>
        %dma_wait3A_61 = arith.constant 9984 : i32
        %dma_wait3A_62 = arith.constant 0 : i32
        %dma_wait3A_63 = tpu.memref_slice %arg5[%dma_wait3A_61, %dma_wait3A_62] : memref<10000x128xf32, #tpu.memory_space<vmem_shared>> -> memref<16x128xf32, #tpu.memory_space<vmem_shared>>
        %dma_wait3A_64 = arith.constant 0 : i32
        %dma_wait3A_65 = arith.constant 0 : i32
        %dma_wait3A_66 = tpu.memref_slice %arg10[%dma_wait3A_64, %dma_wait3A_65] : memref<208x128xf32, #tpu.memory_space<vmem>> -> memref<16x128xf32, #tpu.memory_space<vmem>>
        %dma_wait3A_67 = arith.constant 9984 : i32
        %dma_wait3A_68 = arith.constant 0 : i32
        %dma_wait3A_69 = tpu.memref_slice %arg5[%dma_wait3A_67, %dma_wait3A_68] : memref<10000x128xf32, #tpu.memory_space<vmem_shared>> -> memref<16x128xf32, #tpu.memory_space<vmem_shared>>
        tpu.wait_dma2 semaphore(%run_scoped3A : memref<!tpu.dma_semaphore, #tpu.memory_space<semaphore_mem>>) src(%dma_wait3A_69 : memref<16x128xf32, #tpu.memory_space<vmem_shared>>) dst(%dma_wait3A_66 : memref<16x128xf32, #tpu.memory_space<vmem>>)
        tpu.yield
      }) : () -> ()
      "tpu.region"() ({
        %run_scoped3A = tpu.sem_alloc : memref<!tpu.dma_semaphore, #tpu.memory_space<semaphore_mem>>
        %dma_start3A = arith.constant 0 : i32
        %dma_start3A_48 = arith.constant 0 : i32
        %dma_start3A_49 = tpu.memref_slice %arg10[%dma_start3A, %dma_start3A_48] : memref<208x128xf32, #tpu.memory_space<vmem>> -> memref<16x128xf32, #tpu.memory_space<vmem>>
        %dma_start3A_50 = arith.constant 0 : i32
        %dma_start3A_51 = arith.constant 0 : i32
        %dma_start3A_52 = tpu.memref_slice %arg4[%arg0, %dma_start3A_50, %dma_start3A_51] : memref<2x10000x128xf32, #tpu.memory_space<hbm>> -> memref<1x10000x128xf32, #tpu.memory_space<hbm>>
        %dma_start3A_53 = tpu.memref_squeeze %dma_start3A_52 : memref<1x10000x128xf32, #tpu.memory_space<hbm>> -> memref<10000x128xf32, #tpu.memory_space<hbm>>
        %dma_start3A_54 = arith.constant 9984 : i32
        %dma_start3A_55 = arith.constant 0 : i32
        %dma_start3A_56 = tpu.memref_slice %dma_start3A_53[%dma_start3A_54, %dma_start3A_55] : memref<10000x128xf32, #tpu.memory_space<hbm>> -> memref<16x128xf32, #tpu.memory_space<hbm>>
        %dma_start3A_57 = arith.constant 0 : i32
        %dma_start3A_58 = arith.constant 0 : i32
        %dma_start3A_59 = tpu.memref_slice %arg4[%arg0, %dma_start3A_57, %dma_start3A_58] : memref<2x10000x128xf32, #tpu.memory_space<hbm>> -> memref<1x10000x128xf32, #tpu.memory_space<hbm>>
        %dma_start3A_60 = tpu.memref_squeeze %dma_start3A_59 : memref<1x10000x128xf32, #tpu.memory_space<hbm>> -> memref<10000x128xf32, #tpu.memory_space<hbm>>
        %dma_start3A_61 = arith.constant 9984 : i32
        %dma_start3A_62 = arith.constant 0 : i32
        %dma_start3A_63 = tpu.memref_slice %dma_start3A_60[%dma_start3A_61, %dma_start3A_62] : memref<10000x128xf32, #tpu.memory_space<hbm>> -> memref<16x128xf32, #tpu.memory_space<hbm>>
        %dma_start3A_64 = arith.constant 0 : i32
        %dma_start3A_65 = arith.constant 0 : i32
        %dma_start3A_66 = tpu.memref_slice %arg10[%dma_start3A_64, %dma_start3A_65] : memref<208x128xf32, #tpu.memory_space<vmem>> -> memref<16x128xf32, #tpu.memory_space<vmem>>
        tpu.enqueue_dma source(%dma_start3A_66 : memref<16x128xf32, #tpu.memory_space<vmem>>) target(%dma_start3A_63 : memref<16x128xf32, #tpu.memory_space<hbm>>) target_semaphore(%run_scoped3A : memref<!tpu.dma_semaphore, #tpu.memory_space<semaphore_mem>>)
        %dma_wait3A = arith.constant 0 : i32
        %dma_wait3A_67 = arith.constant 0 : i32
        %dma_wait3A_68 = tpu.memref_slice %arg10[%dma_wait3A, %dma_wait3A_67] : memref<208x128xf32, #tpu.memory_space<vmem>> -> memref<16x128xf32, #tpu.memory_space<vmem>>
        %dma_wait3A_69 = arith.constant 0 : i32
        %dma_wait3A_70 = arith.constant 0 : i32
        %dma_wait3A_71 = tpu.memref_slice %arg4[%arg0, %dma_wait3A_69, %dma_wait3A_70] : memref<2x10000x128xf32, #tpu.memory_space<hbm>> -> memref<1x10000x128xf32, #tpu.memory_space<hbm>>
        %dma_wait3A_72 = tpu.memref_squeeze %dma_wait3A_71 : memref<1x10000x128xf32, #tpu.memory_space<hbm>> -> memref<10000x128xf32, #tpu.memory_space<hbm>>
        %dma_wait3A_73 = arith.constant 9984 : i32
        %dma_wait3A_74 = arith.constant 0 : i32
        %dma_wait3A_75 = tpu.memref_slice %dma_wait3A_72[%dma_wait3A_73, %dma_wait3A_74] : memref<10000x128xf32, #tpu.memory_space<hbm>> -> memref<16x128xf32, #tpu.memory_space<hbm>>
        %dma_wait3A_76 = arith.constant 0 : i32
        %dma_wait3A_77 = arith.constant 0 : i32
        %dma_wait3A_78 = tpu.memref_slice %arg4[%arg0, %dma_wait3A_76, %dma_wait3A_77] : memref<2x10000x128xf32, #tpu.memory_space<hbm>> -> memref<1x10000x128xf32, #tpu.memory_space<hbm>>
        %dma_wait3A_79 = tpu.memref_squeeze %dma_wait3A_78 : memref<1x10000x128xf32, #tpu.memory_space<hbm>> -> memref<10000x128xf32, #tpu.memory_space<hbm>>
        %dma_wait3A_80 = arith.constant 9984 : i32
        %dma_wait3A_81 = arith.constant 0 : i32
        %dma_wait3A_82 = tpu.memref_slice %dma_wait3A_79[%dma_wait3A_80, %dma_wait3A_81] : memref<10000x128xf32, #tpu.memory_space<hbm>> -> memref<16x128xf32, #tpu.memory_space<hbm>>
        %dma_wait3A_83 = arith.constant 0 : i32
        %dma_wait3A_84 = arith.constant 0 : i32
        %dma_wait3A_85 = tpu.memref_slice %arg10[%dma_wait3A_83, %dma_wait3A_84] : memref<208x128xf32, #tpu.memory_space<vmem>> -> memref<16x128xf32, #tpu.memory_space<vmem>>
        tpu.wait_dma2 semaphore(%run_scoped3A : memref<!tpu.dma_semaphore, #tpu.memory_space<semaphore_mem>>) src(%dma_wait3A_85 : memref<16x128xf32, #tpu.memory_space<vmem>>) dst(%dma_wait3A_82 : memref<16x128xf32, #tpu.memory_space<hbm>>)
        tpu.yield
      }) : () -> ()
    } else {
    }
    return
  }
}

module attributes {stable_mosaic.version = 14 : i64} {
  func.func @body(%arg0: i32, %arg1: memref<2x1000x128xf32, #tpu.memory_space<vmem>>, %arg2: memref<1000x128xf32, #tpu.memory_space<vmem>>) attributes {dimension_semantics = [#tpu.dimension_semantics<arbitrary>], iteration_bounds = array<i64: 10>, scalar_prefetch = 0 : i64, scratch_operands = 0 : i64, tpu.core_type = #tpu.core_type<tc>, window_params = [{transform_indices = @transform_0, window_bounds = array<i64: 2, 1000, 128>}, {transform_indices = @transform_1, window_bounds = array<i64: 1000, 128>}]} {
    %get3A = arith.constant 0 : index
    %get3A_0 = arith.constant 0 : index
    %get3A_1 = arith.constant 0 : index
    %get3A_2 = vector.load %arg1[%get3A, %get3A_0, %get3A_1] : memref<2x1000x128xf32, #tpu.memory_space<vmem>>, vector<1x1000x128xf32>
    %get3A_3 = vector.shape_cast %get3A_2 : vector<1x1000x128xf32> to vector<1000x128xf32>
    %get3A_4 = arith.constant 1 : index
    %get3A_5 = arith.constant 0 : index
    %get3A_6 = arith.constant 0 : index
    %get3A_7 = vector.load %arg1[%get3A_4, %get3A_5, %get3A_6] : memref<2x1000x128xf32, #tpu.memory_space<vmem>>, vector<1x1000x128xf32>
    %get3A_8 = vector.shape_cast %get3A_7 : vector<1x1000x128xf32> to vector<1000x128xf32>
    %add3A = arith.addf %get3A_3, %get3A_8 : vector<1000x128xf32>
    %swap3A = arith.constant 0 : index
    %swap3A_9 = arith.constant 0 : index
    %swap3A_10 = vector.load %arg2[%swap3A, %swap3A_9] : memref<1000x128xf32, #tpu.memory_space<vmem>>, vector<1000x128xf32>
    tpu.vector_store %arg2[%swap3A, %swap3A_9], %add3A {strides = array<i32>} : memref<1000x128xf32, #tpu.memory_space<vmem>>, vector<1000x128xf32>,
    return
  }
  func.func @transform_0(%arg0: i32) -> (i32, i32, i32) {
    %c0_i32 = arith.constant 0 : i32
    %c0_i32_0 = arith.constant 0 : i32
    %c0_i32_1 = arith.constant 0 : i32
    return %c0_i32, %arg0, %c0_i32_0 : i32, i32, i32
  }
  func.func @transform_1(%arg0: i32) -> (i32, i32) {
    %c0_i32 = arith.constant 0 : i32
    %c0_i32_0 = arith.constant 0 : i32
    return %arg0, %c0_i32 : i32, i32
  }
}

</mosaic_0001>

<sc_bundles>
// kernel: kernel.4.cloned.1.call-start
scs
__scs_entry_jumppad:
0x0: {  	(pc) =	sbr.rel $0x88, $3  }
0x1: {  	(tag) =	ssettag $0x0;
	lr =	simm.s32 $0x1  }
0x2: {  	[smem:$0x3F9F] =	sst lr;
	_ =	strace $0xD0000000  }
0x3: {  	_ = 	snop  }
0x4: {  	_ = 	snop  }
0x5: {  	_ = 	snop  }
0x6: {  	_ = 	snop  }
0x7: {  	_ = 	snop  }
__scs_overlays_trampoline_lowered:
0x8: {  	[smem:$0x3FAE] =	sst s0  }
0x9: {  	[smem:$0x3FAF] =	sst s1  }
0xa: {  	[smem:$0x3FB0] =	sst s2  }
0xb: {  	[smem:$0x3FB1] =	sst s3  }
0xc: {  	[smem:$0x3FB2] =	sst s4  }
0xd: {  	[smem:$0x3FB3] =	sst s5  }
0xe: {  	[smem:$0x3FB4] =	sst s6  }
0xf: {  	[smem:$0x3FB5] =	sst s7  }
0x10: {  	[smem:$0x3FB6] =	sst s8  }
0x11: {  	[smem:$0x3FB7] =	sst s9;
	s0 =	simm.s32 @!p0 $0x0  }
0x12: {  	s1 =	sld [smem:$0x3F9D];
	s0 =	simm.s32 @p0 $0x1  }
0x13: {  	[smem:$0x3FB8] =	sst s0;
	s0 =	simm.s32 @!p1 $0x0  }
0x14: {  	s2 =	sld [smem:$0x3F9C];
	s0 =	simm.s32 @p1 $0x1  }
0x15: {  	[smem:$0x3FB9] =	sst s0;
	s0 =	simm.s32 @!p2 $0x0  }
0x16: {  	s3 =	sld [smem:$0x3FDB];
	s0 =	simm.s32 @p2 $0x1  }
0x17: {  	s4 =	simm.s32 $0x1BF5;
	[smem:$0x3FBB] =	sst s0  }
0x18: {  	s0 =	sld [smem:$0x3F9E];
	_ =	swait.ge [sflag:s4], $0x0  }
0x19: {  	s7 =	sld [smem:$0x3F9F]  }
0x1a: {  	s8 =	sadd.s32 $0xFFFFE003, lr  }
0x1b: {  	s9 =	sadd.s32 $0xFFFFFEF7, lr;
	s5 =	simm.s32 $0xFFFFFFFF;
	p2 =	slt.u32 s8, $0xFFFFF086  }
0x1c: {  	p1 =	slt.u32 s9, $0xF7A;
	s5 =	simm.s32 @!p2 $0x0  }
0x1d: {  	s5 =	simm.s32 @p1 $0x1;
	p0 =	seq.s32 s7, s2  }
0x1e: {  	s7 =	smul.u32 @!p0 $0xF7A, s2;
	p2 =	seq.s32 @!p0 s5, $0x0  }
0x1f: {  	s9 =	smul.u32 $0xF7A, s1;
	s8 =	simm.s32 @!p0 $0x1BF5;
	p2 =	por !p2, p0  }
0x20: {  	[sflag:s8] =	ssyncset.s32 @!p0 $0xFFFFF086;
	s6 =	sadd.s32 @!p0 s3, s7;
	s7 =	simm.s32 @!p0 $0x108  }
0x21: {  	s3 =	sadd.s32 s3, s9;
	s6 =	sadd.s32 @!p0 $0x88, s6;
	s7 =	simm.s32 @p2 $0x1082  }
0x22: {  	[simem:s7], [sflag:s8] =	dma.local @!p0 [hbm:s6], $0xF7A  }
0x23: {  	s9 =	sor.u32 $0xD0000000, s2;
	s6 =	simm.s32 $0x108;
	_ =	swait.ge @!p0 [sflag:s8], $0x0  }
0x24: {  	s3 =	sadd.s32 $0x88, s3;
	s6 =	simm.s32 @!p1 $0x1082;
	[sflag:s4] =	ssyncset.s32 $0xFFFFF086  }
0x25: {  	[simem:s6], [sflag:s4] =	dma.local [hbm:s3], $0xF7A  }
0x26: {  	[smem:$0x3F9F] =	sst s1;
	(tag) =	ssettag s2;
	_ =	strace s9  }
0x27: {  	s1 =	sld [smem:$0x3FAF]  }
0x28: {  	s2 =	sld [smem:$0x3FB0]  }
0x29: {  	s4 =	sld [smem:$0x3FB2]  }
0x2a: {  	p0 =	seq.s32 s5, $0x0;
	s5 =	sld [smem:$0x3FB3]  }
0x2b: {  	s6 =	sld [smem:$0x3FB4]  }
0x2c: {  	s7 =	sld [smem:$0x3FB5]  }
0x2d: {  	s3 =	simm.s32 $0x108;
	s8 =	sld [smem:$0x3FB6]  }
0x2e: {  	s3 =	simm.s32 @!p0 $0x1082;
	s9 =	sld [smem:$0x3FB7]  }
0x2f: {  	lr =	sadd.s32 s0, s3;
	s0 =	sld [smem:$0x3FAE]  }
0x30: {  	s3 =	sld [smem:$0x3FB1]  }
0x31: {  	[smem:$0x3FBA] =	sst s10  }
0x32: {  	s10 =	sld [smem:$0x3FB8];
	_ =	sdelay $0x3  }
0x33: {  	p0 =	seq.s32 s10, $0x1;
	s10 =	sld [smem:$0x3FBA];
	_ =	sdelay $0x3  }
0x34: {  	[smem:$0x3FBA] =	sst s10  }
0x35: {  	s10 =	sld [smem:$0x3FB9];
	_ =	sdelay $0x3  }
0x36: {  	p1 =	seq.s32 s10, $0x1;
	s10 =	sld [smem:$0x3FBA];
	_ =	sdelay $0x3  }
0x37: {  	[smem:$0x3FBA] =	sst s10  }
0x38: {  	s10 =	sld [smem:$0x3FBB]  }
0x39: {  	_ = 	snop;
	(pc) =	sbr.ind lr, $3  }
0x3a: {  	_ = 	snop  }
0x3b: {  	_ = 	snop  }
0x3c: {  	p2 =	seq.s32 s10, $0x1;
	s10 =	sld [smem:$0x3FBA]  }
0x3d: {  	_ =	shalt  }
0x3e: {  	_ =	shalt  }
0x3f: {  	_ =	shalt  }
0x40: {  	_ =	shalt  }
0x41: {  	_ =	shalt  }
0x42: {  	_ =	shalt  }
0x43: {  	_ =	shalt  }
0x44: {  	_ =	shalt  }
0x45: {  	_ =	shalt  }
0x46: {  	_ =	shalt  }
0x47: {  	_ =	shalt  }
0x48: {  	_ =	shalt  }
0x49: {  	_ =	shalt  }
0x4a: {  	_ =	shalt  }
0x4b: {  	_ =	shalt  }
0x4c: {  	_ =	shalt  }
0x4d: {  	_ =	shalt  }
0x4e: {  	_ =	shalt  }
0x4f: {  	_ =	shalt  }
0x50: {  	_ =	shalt  }
0x51: {  	_ =	shalt  }
0x52: {  	_ =	shalt  }
0x53: {  	_ =	shalt  }
0x54: {  	_ =	shalt  }
0x55: {  	_ =	shalt  }
0x56: {  	_ =	shalt  }
0x57: {  	_ =	shalt  }
0x58: {  	_ =	shalt  }
0x59: {  	_ =	shalt  }
0x5a: {  	_ =	shalt  }
0x5b: {  	_ =	shalt  }
0x5c: {  	_ =	shalt  }
0x5d: {  	_ =	shalt  }
0x5e: {  	_ =	shalt  }
0x5f: {  	_ =	shalt  }
0x60: {  	_ =	shalt  }
0x61: {  	_ =	shalt  }
0x62: {  	_ =	shalt  }
0x63: {  	_ =	shalt  }
0x64: {  	_ =	shalt  }
0x65: {  	_ =	shalt  }
0x66: {  	_ =	shalt  }
0x67: {  	_ =	shalt  }
0x68: {  	_ =	shalt  }
0x69: {  	_ =	shalt  }
0x6a: {  	_ =	shalt  }
0x6b: {  	_ =	shalt  }
0x6c: {  	_ =	shalt  }
0x6d: {  	_ =	shalt  }
0x6e: {  	_ =	shalt  }
0x6f: {  	_ =	shalt  }
0x70: {  	_ =	shalt  }
0x71: {  	_ =	shalt  }
0x72: {  	_ =	shalt  }
0x73: {  	_ =	shalt  }
0x74: {  	_ =	shalt  }
0x75: {  	_ =	shalt  }
0x76: {  	_ =	shalt  }
0x77: {  	_ =	shalt  }
0x78: {  	_ =	shalt  }
0x79: {  	_ =	shalt  }
0x7a: {  	_ =	shalt  }
0x7b: {  	_ =	shalt  }
0x7c: {  	_ =	shalt  }
0x7d: {  	_ =	shalt  }
0x7e: {  	_ =	shalt  }
0x7f: {  	_ =	shalt  }
0x80: {  	_ =	shalt  }
0x81: {  	_ =	shalt  }
0x82: {  	_ =	shalt  }
0x83: {  	_ =	shalt  }
0x84: {  	_ =	shalt  }
0x85: {  	_ =	shalt  }
0x86: {  	_ =	shalt  }
0x87: {  	_ =	shalt  }
.Lfunc_end0:
.L_simem_size_0:
called_computation_lowered:
.L_overlay_start_0:
0x88: {  	s2 =	sld [smem:$0x3FD9]  }
0x89: {  	s3 =	sld [smem:$0x3FFE];
	_ =	sdelay $0x1  }
0x8a: {  	s1 =	srdreg.scid  }
0x8b: {  	s0 =	sand.u32 $0x1, s1  }
0x8c: {  	s17 =	sshll.u32 s0, $0xA;
	s2 =	sadd.s32 s3, s2  }
0x8d: {  	s2 =	sadd.s32 s2, s17  }
0x8e: {  	[smem:$0x3FC6] =	sst s2  }
0x8f: {  	_ = 	snop  }
0x90: {  	s2 =	sld [smem:$0x3FC9]  }
0x91: {  	s18 =	sld [smem:$0x3FC8];
	(tm) =	ssettm $0x1  }
0x92: {  	s4 =	sld [smem:$0x3FFB];
	_ =	sdelay $0x3  }
0x93: {  	_ =	strace s4  }
0x94: {  	s4 =	sld [smem:$0x3FFC];
	_ =	sdelay $0x3  }
0x95: {  	_ =	strace s4  }
0x96: {  	s4 =	sld [smem:$0x3FFD];
	_ =	sdelay $0x3  }
0x97: {  	_ =	strace s4  }
0x98: {  	_ =	strace $0x8FFFFFFF  }
0x99: {  	s19 =	sld [smem:$0x3FDB];
	_ =	sdelay $0x1  }
0x9a: {  	s5 =	simm.s32 $_scs_section_size  }
0x9b: {  	s6 =	simm.s32 $_size__tile_overlayer_lowered;
	s7 =	simm.s32 $_tile_overlayer_lowered  }
0x9c: {  	s22 =	simm.s32 $0x1BFF;
	s21 =	sshll.u32 s7, $0x1;
	s4 =	sadd.s32 s5, s19  }
0x9d: {  	s8 =	simm.s32 $0x0;
	s20 =	sshll.u32 s6, $0x1;
	s6 =	sadd.s32 s21, s4  }
0x9e: {  	[timem:s8], [sflag:s22] =	dma.local [hbm:s6], s20  }
0x9f: {  	_ =	swait.ge [sflag:s22], s20  }
0xa0: {  	s5 =	ssub.s32 $0x0, s20;
	[sflag:s22] =	ssyncset.done $0x0  }
0xa1: {  	[sflag:s22] =	ssyncadd.s32 s5;
	_ =	sdelay $0x1  }
0xa2: {  	s23 =	simm.s32 $0x1B8B  }
0xa3: {  	_ =	swait.ge [sflag:s23], $0x1  }
0xa4: {  	[sflag:s23] =	ssyncset.done $0x0  }
0xa5: {  	s25 =	simm.s32 $0x1B8E;
	s24 =	sld [smem:$0x3FFE];
	[sflag:s23] =	ssyncadd.s32 $0xFFFFFFFF  }
0xa6: {  	s26 =	simm.s32 $execute0_lowered;
	[smem:$0x3FD2] =	sst s25  }
0xa7: {  	s6 =	sshll.u32 s26, $0x1;
	_ =	strace $0x80000046;
	[dreg:$0x1] =	wrdreg $0xFFFFFFFF  }
0xa8: {  	s28 =	simm.s32 $_size_execute0_lowered;
	s4 =	sadd.s32 s4, s6;
	[dreg:$0x0] =	wrdreg $0x0  }
0xa9: {  	s6 =	sshll.u32 s28, $0x1;
	[dreg:$0x2] =	wrdreg s4  }
0xaa: {  	[dreg:$0x3] =	wrdreg s6  }
0xab: {  	[dreg:$0x4] =	wrdreg $0xC0  }
0xac: {  	_ =	task [dreg:s8], $0x5FFFF  }
0xad: {  	[dreg:$0x1] =	wrdreg $0xFFFFFFFF  }
0xae: {  	[dreg:$0x0] =	wrdreg $0x60  }
0xaf: {  	[dreg:$0x2] =	wrdreg s2  }
0xb0: {  	[dreg:$0x3] =	wrdreg s18  }
0xb1: {  	[dreg:$0x4] =	wrdreg s24  }
0xb2: {  	[dreg:$0x5] =	wrdreg $0x0  }
0xb3: {  	[dreg:$0x6] =	wrdreg $0x9  }
0xb4: {  	_ =	task.clear_ibuf [dreg:s8], $0x7FFFF;
	_ =	strace $0x90000046  }
0xb5: {  	s29 =	simm.s32 $0x9;
	_ =	strace $0x80000048  }
0xb6: {  	_ =	swait.ge [sflag:s29], $0x1  }
0xb7: {  	[sflag:s29] =	ssyncadd.s32 $0xFFFFFFFF  }
0xb8: {  	_ =	strace $0x90000048  }
0xb9: {  	_ =	sfence  }
0xba: {  	s30 =	sld [smem:$0x0];
	_ =	sdelay $0x2  }
0xbb: {  	s31 =	sshll.u32 s1, $0xD;
	s1 =	sshrl.u32 s1, $0x2  }
0xbc: {  	s3 =	sand.u32 $0x4000, s31;
	s1 =	sadd.s32 s1, s30  }
0xbd: {  	s0 =	sor.u32 s3, s0;
	s1 =	sshll.u32 s1, $0x11  }
0xbe: {  	s0 =	sor.u32 s1, s0  }
0xbf: {  	s0 =	sadd.s32 $0x8F2B, s0  }
0xc0: {  	[sflag:s0] =	ssyncadd.remote.s32 $0x1  }
0xc1: {  	_ =	sfence.sel $0xFFFF  }
0xc2: {  	[dreg:$0x0] =	wrdreg $0xFFFFFFFF;
	(pc) =	sbr.abs _section_cstart, $3  }
0xc3: {  	[dreg:$0x1] =	wrdreg $0xFFFFFFFF  }
0xc4: {  	_ =	task.clear_ibuf [dreg:s8], $0x2FFFF;
	_ =	strace $0x9FFFFFFF  }
0xc5: {  	(tm) =	ssettm $0x7FFFFFFF  }
tec
execute0_lowered:
.L_overlay_start_1:
0x0: {  	(tag) =	ssettag $0x1  }
0x1: {  	s11 =	rddreg [dreg:$0x0]  }
0x2: {  	s12 =	rddreg [dreg:$0x1]  }
0x3: {  	s3 =	rddreg [dreg:$0x2]  }
0x4: {  	s1 =	rddreg [dreg:$0x3];
	s14 =	stileid.u32  }
0x5: {  	s2 =	srdreg.scid;
	s5 =	smul.u32 $0x270, s14  }
0x6: {  	s0 =	rddreg [dreg:$0x4];
	s20 =	simm.s32 $0x10;
	s7 =	smul.u32 $0x4E000, s14  }
0x7: {  	s24 =	simm.s32 $0x0;
	s8 =	sand.u32 $0x1, s2;
	s21 =	smul.u32 $0x2700, s14  }
0x8: {  	s2 =	simm.s32 $0x0;
	s25 =	sshll.u32 s14, $0x1;
	s18 =	smul.u32 $0x4E20, s14  }
0x9: {  	s30 =	smul.u32 $0x4E200, s14;
	p0 =	sne.s32 s14, $0x0;
	s14 =	simm.s32 $0x1  }
0xa: {  	s13 =	smul.u32 $0x27100, s8;
	[smem:$0x7FF] =	sst s2;
	s4 =	ssub.s32 $0x2, s8  }
0xb: {  	s19 =	smul.u32 $0x2710, s8;
	_ =	strace $0x80000047;
	s6 =	sshrl.u32 s4, $0x1  }
0xc: {  	s26 =	sshrl.u32 s7, $0x2;
	s15 =	sadd.s32 $0xD0, s5;
	s16 =	sadd.s32 $0x1A0, s5  }
0xd: {  	s9 =	sadd.s32 s13, s3;
	s10 =	ssub.s32 s4, s6;
	s3 =	sor.u32 s8, s25  }
0xe: {  	s28 =	sshll.u32 s15, $0x7;
	s5 =	sshll.u32 s16, $0x7;
	s6 =	sadd.s32 $0x138000, s1  }
0xf: {  	s22 =	sshll.u32 s15, $0x4;
	s23 =	sshll.u32 s16, $0x4;
	s31 =	sadd.s32 s19, s18  }
0x10: {  	s16 =	simm.s32 $0x13880;
	s18 =	simm.s32 $0x18100;
	s19 =	simm.s32 $0x17900  }
0x11: {  	s29 =	smul.u32 $0x2710, s3;
	s3 =	sadd.s32 s26, s1;
	s4 =	sadd.s32 s28, s1  }
0x12: {  	s5 =	sadd.s32 s5, s1;
	s9 =	sadd.s32 $0x600, s9;
	s10 =	smax.u32 s10, $0x1  }
0x13: {  	s15 =	sshrl.u32 s31, $0x3;
	s21 =	sadd.s32 s21, s9;
	s17 =	sadd.s32 $0x2700, s29  }
0x14: {  	s22 =	sadd.s32 s22, s9;
	s7 =	sshrl.u32 s17, $0x3;
	s17 =	sshll.u32 s17, $0x4  }
0x15: {  	s23 =	sadd.s32 s23, s9;
	s7 =	sadd.s32 s12, s7;
	s8 =	sadd.s32 s11, s17  }
0x16: {  	s11 =	sadd.s32 s30, s11;
	s12 =	sadd.s32 s15, s12;
	s15 =	simm.s32 $0x17880  }
0x17: {  	v0 =	vimm.f32 $0.0e+00;
	s17 =	simm.s32 $0x80;
	s11 =	sadd.s32 s13, s11;
	s13 =	simm.s32 $0x18180  }
.LBB2_1:
0x18: {  	s25 =	simm.s32 $0x0;
	s26 =	simm.s32 $0x200  }
.LBB2_2:
0x19: {  	p1 =	sne.s32 s26, $0x19E00;
	[tilespmem:s25+$0x181F0] =	vst v0  }
0x1a: {  	[tilespmem:s25+$0x18180] =	vst v0  }
0x1b: {  	[tilespmem:s25+$0x18190] =	vst v0  }
.Ltmp0:
0x1c: {  	[tilespmem:s25+$0x181A0] =	vst v0;
	(pc) =	sbr.rel @p1 .LBB2_2-.Ltmp0, $4  }
0x1d: {  	[tilespmem:s25+$0x181B0] =	vst v0  }
0x1e: {  	[tilespmem:s25+$0x181C0] =	vst v0  }
0x1f: {  	[tilespmem:s25+$0x181D0] =	vst v0  }
0x20: {  	[tilespmem:s25+$0x181E0] =	vst v0;
	s25 =	sshra.s32 s26, $0x2;
	s26 =	sadd.s32 $0x200, s26  }
0x21: {  	[tilespmem:s25+$0x181F0] =	vst v0  }
0x22: {  	[tilespmem:s25+$0x18180] =	vst v0  }
0x23: {  	[tilespmem:s25+$0x18190] =	vst v0  }
0x24: {  	[tilespmem:s25+$0x181A0] =	vst v0  }
0x25: {  	[tilespmem:s25+$0x181B0] =	vst v0  }
0x26: {  	[tilespmem:s25+$0x181C0] =	vst v0  }
0x27: {  	[tilespmem:s25+$0x181D0] =	vst v0  }
0x28: {  	[tilespmem:s25+$0x181E0] =	vst v0  }
0x29: {  	[spmem:s3] =	stream.linear.scatter [tilespmem:s13], [sflag:$0x1], $0x6800, $0x38;
	[tilespmem:$0x1E980] =	vst v63  }
0x2a: {  	_ =	swait.ge [sflag:s14], $0x6800  }
0x2b: {  	[sflag:s14] =	ssyncset.done $0x0  }
0x2c: {  	[sflag:s14] =	ssyncadd.s32 $0xFFFF9800  }
0x2d: {  	[spmem:s4] =	stream.linear.scatter [tilespmem:s13], [sflag:$0x1], $0x6800, $0x38;
	[tilespmem:$0x1E980] =	vst v63  }
0x2e: {  	_ =	swait.ge [sflag:s14], $0x6800  }
0x2f: {  	[sflag:s14] =	ssyncset.done $0x0  }
0x30: {  	[sflag:s14] =	ssyncadd.s32 $0xFFFF9800  }
0x31: {  	[spmem:s5] =	stream.linear.scatter [tilespmem:s13], [sflag:$0x1], $0x6800, $0x38;
	[tilespmem:$0x1E980] =	vst v63  }
0x32: {  	_ =	swait.ge [sflag:s14], $0x6800  }
0x33: {  	[sflag:s14] =	ssyncset.done $0x0  }
0x34: {  	s25 =	simm.s32 @!p0 $0x18180;
	[sflag:s14] =	ssyncadd.s32 $0xFFFF9800  }
0x35: {  	[spmem:s6] =	stream.linear.scatter @!p0 [tilespmem:s25], [sflag:$0x1], $0x800, $0x38;
	[tilespmem:$0x1E980] =	vst v63  }
0x36: {  	s25 =	simm.s32 @!p0 $0x1  }
0x37: {  	_ =	swait.ge @!p0 [sflag:s25], $0x800  }
0x38: {  	[sflag:s25] =	ssyncset.done @!p0 $0x0  }
0x39: {  	[sflag:s25] =	ssyncadd.s32 @!p0 $0xFFFFF800  }
0x3a: {  	s31 =	sadd.s32 $0x0, s12;
	[bflag:$0x0] =	sbarrier.arrive $0xFFFF  }
0x3b: {  	[tilespmem:s15], [sflag:$0x1] =	stream.linear.gather [hbm4b:s31+s2], $0x80, $0x38;
	[tilespmem:$0x1E980] =	vst v63  }
0x3c: {  	_ =	swait.ge [sflag:s14], $0x80  }
0x3d: {  	[sflag:s14] =	ssyncset.done $0x0  }
0x3e: {  	[sflag:s14] =	ssyncadd.s32 $0xFFFFFF80  }
0x3f: {  	[tilespmem:s16], [sflag:$0x1] =	stream.linear.gather [hbm4b:s11+s2], $0x4000, $0x38;
	[tilespmem:$0x1E980] =	vst v63  }
0x40: {  	_ =	swait.ge [sflag:s14], $0x4000  }
0x41: {  	[sflag:s14] =	ssyncset.done $0x0  }
0x42: {  	[sflag:s14] =	ssyncadd.s32 $0xFFFFC000  }
0x43: {  	[spmem:s1] =	stream.indirect.scatter.add.f32 [tilespmem:s16], [sflag:$0x1], $0x80, s15, s17, $0xb8;
	[tilespmem:$0x1E980] =	vst v63  }
0x44: {  	s26 =	simm.s32 $0x10;
	_ =	swait.ge [sflag:s14], $0x4000  }
0x45: {  	s28 =	simm.s32 $0x20;
	s25 =	sadd.s32 $0x800, s11;
	[sflag:s14] =	ssyncset.done $0x0  }
.LBB2_4:
0x46: {  	s29 =	sadd.s32 s26, s12  }
0x47: {  	[sflag:s14] =	ssyncadd.s32 $0xFFFFC000;
	s26 =	smov.u32 s28;
	s30 =	sadd.s32 $0x10, s28  }
0x48: {  	[tilespmem:s15], [sflag:$0x1] =	stream.linear.gather [hbm4b:s29+s2], $0x80, $0x38;
	[tilespmem:$0x1E980] =	vst v63  }
0x49: {  	p1 =	sne.s32 s28, $0x4D0;
	_ =	swait.ge [sflag:s14], $0x80  }
0x4a: {  	[sflag:s14] =	ssyncset.done $0x0  }
0x4b: {  	[sflag:s14] =	ssyncadd.s32 $0xFFFFFF80  }
0x4c: {  	[tilespmem:s16], [sflag:$0x1] =	stream.linear.gather [hbm4b:s25+s2], $0x4000, $0x38;
	[tilespmem:$0x1E980] =	vst v63  }
0x4d: {  	_ =	swait.ge [sflag:s14], $0x4000  }
.Ltmp1:
0x4e: {  	[sflag:s14] =	ssyncset.done $0x0;
	(pc) =	sbr.rel @p1 .LBB2_4-.Ltmp1, $4  }
0x4f: {  	[sflag:s14] =	ssyncadd.s32 $0xFFFFC000  }
0x50: {  	[spmem:s1] =	stream.indirect.scatter.add.f32 [tilespmem:s16], [sflag:$0x1], $0x80, s15, s17, $0xb8;
	[tilespmem:$0x1E980] =	vst v63  }
0x51: {  	_ =	swait.ge [sflag:s14], $0x4000  }
0x52: {  	s28 =	smov.u32 s30;
	s25 =	sadd.s32 $0x800, s25;
	[sflag:s14] =	ssyncset.done $0x0  }
0x53: {  	s26 =	sadd.s32 s26, s12;
	[sflag:s14] =	ssyncadd.s32 $0xFFFFC000  }
0x54: {  	[tilespmem:s15], [sflag:$0x1] =	stream.linear.gather [hbm4b:s26+s2], $0x80, $0x38;
	[tilespmem:$0x1E980] =	vst v63  }
0x55: {  	_ =	swait.ge [sflag:s14], $0x80  }
0x56: {  	[sflag:s14] =	ssyncset.done $0x0  }
0x57: {  	[sflag:s14] =	ssyncadd.s32 $0xFFFFFF80  }
0x58: {  	[tilespmem:s16], [sflag:$0x1] =	stream.linear.gather [hbm4b:s25+s2], $0x4000, $0x38;
	[tilespmem:$0x1E980] =	vst v63  }
0x59: {  	_ =	swait.ge [sflag:s14], $0x4000  }
0x5a: {  	[sflag:s14] =	ssyncset.done $0x0  }
0x5b: {  	[sflag:s14] =	ssyncadd.s32 $0xFFFFC000  }
0x5c: {  	[spmem:s1] =	stream.indirect.scatter.add.f32 [tilespmem:s16], [sflag:$0x1], $0x80, s15, s17, $0xb8;
	[tilespmem:$0x1E980] =	vst v63  }
0x5d: {  	_ =	swait.ge [sflag:s14], $0x4000  }
0x5e: {  	[sflag:s14] =	ssyncset.done $0x0  }
0x5f: {  	[sflag:s14] =	ssyncadd.s32 $0xFFFFC000  }
0x60: {  	[tilespmem:s18], [sflag:$0x1] =	stream.linear.gather [hbm4b:s7+s2], $0x10, $0x38;
	[tilespmem:$0x1E980] =	vst v63  }
0x61: {  	_ =	swait.ge [sflag:s14], $0x10  }
0x62: {  	[sflag:s14] =	ssyncset.done $0x0  }
0x63: {  	[sflag:s14] =	ssyncadd.s32 $0xFFFFFFF0  }
0x64: {  	[tilespmem:s19], [sflag:$0x1] =	stream.linear.gather [hbm4b:s8+s2], $0x800, $0x38;
	[tilespmem:$0x1E980] =	vst v63  }
0x65: {  	_ =	swait.ge [sflag:s14], $0x800  }
0x66: {  	[sflag:s14] =	ssyncset.done $0x0  }
0x67: {  	[sflag:s14] =	ssyncadd.s32 $0xFFFFF800  }
0x68: {  	[spmem:s1] =	stream.indirect.scatter.add.f32 [tilespmem:s19], [sflag:$0x1], $0x80, s18, s20, $0xb8;
	[tilespmem:$0x1E980] =	vst v63  }
0x69: {  	_ =	swait.ge [sflag:s14], $0x800  }
0x6a: {  	[sflag:s14] =	ssyncset.done $0x0  }
0x6b: {  	[sflag:s14] =	ssyncadd.s32 $0xFFFFF800  }
0x6c: {  	[bflag:$0x0] =	sbarrier.arrive $0xFFFF  }
0x6d: {  	[tilespmem:s13], [sflag:$0x1] =	stream.linear.gather [spmem:s3], $0x6800, $0x38;
	[tilespmem:$0x1E980] =	vst v63  }
0x6e: {  	_ =	swait.ge [sflag:s14], $0x6800  }
0x6f: {  	[sflag:s14] =	ssyncset.done $0x0  }
0x70: {  	[sflag:s14] =	ssyncadd.s32 $0xFFFF9800  }
0x71: {  	[hbm4b:s21+s2] =	stream.linear.scatter [tilespmem:s13], [sflag:$0x1], $0x6800, $0x38;
	[tilespmem:$0x1E980] =	vst v63  }
0x72: {  	_ =	swait.ge [sflag:s14], $0x6800  }
0x73: {  	[sflag:s14] =	ssyncset.done $0x0  }
0x74: {  	[sflag:s14] =	ssyncadd.s32 $0xFFFF9800  }
0x75: {  	[tilespmem:s13], [sflag:$0x1] =	stream.linear.gather [spmem:s4], $0x6800, $0x38;
	[tilespmem:$0x1E980] =	vst v63  }
0x76: {  	_ =	swait.ge [sflag:s14], $0x6800  }
0x77: {  	[sflag:s14] =	ssyncset.done $0x0  }
0x78: {  	[sflag:s14] =	ssyncadd.s32 $0xFFFF9800  }
0x79: {  	[hbm4b:s22+s2] =	stream.linear.scatter [tilespmem:s13], [sflag:$0x1], $0x6800, $0x38;
	[tilespmem:$0x1E980] =	vst v63  }
0x7a: {  	_ =	swait.ge [sflag:s14], $0x6800  }
0x7b: {  	[sflag:s14] =	ssyncset.done $0x0  }
0x7c: {  	[sflag:s14] =	ssyncadd.s32 $0xFFFF9800  }
0x7d: {  	[tilespmem:s13], [sflag:$0x1] =	stream.linear.gather [spmem:s5], $0x6800, $0x38;
	[tilespmem:$0x1E980] =	vst v63  }
0x7e: {  	_ =	swait.ge [sflag:s14], $0x6800  }
0x7f: {  	[sflag:s14] =	ssyncset.done $0x0  }
0x80: {  	[sflag:s14] =	ssyncadd.s32 $0xFFFF9800  }
0x81: {  	[hbm4b:s23+s2] =	stream.linear.scatter [tilespmem:s13], [sflag:$0x1], $0x6800, $0x38;
	[tilespmem:$0x1E980] =	vst v63  }
0x82: {  	_ =	swait.ge [sflag:s14], $0x6800  }
0x83: {  	[sflag:s14] =	ssyncset.done $0x0  }
0x84: {  	s26 =	simm.s32 @!p0 $0x1;
	s25 =	simm.s32 @!p0 $0x18180;
	[sflag:s14] =	ssyncadd.s32 $0xFFFF9800  }
0x85: {  	[tilespmem:s25], [sflag:$0x1] =	stream.linear.gather @!p0 [spmem:s6], $0x800, $0x38;
	[tilespmem:$0x1E980] =	vst v63  }
0x86: {  	s24 =	sadd.s32 $0x1, s24;
	_ =	swait.ge @!p0 [sflag:s26], $0x800  }
0x87: {  	s28 =	sadd.s32 @!p0 $0x27000, s9;
	p1 =	sne.s32 s24, s10;
	[sflag:s26] =	ssyncset.done @!p0 $0x0  }
.Ltmp2:
0x88: {  	s29 =	simm.s32 @!p0 $0x0;
	[sflag:s26] =	ssyncadd.s32 @!p0 $0xFFFFF800;
	(pc) =	sbr.rel @p1 .LBB2_1-.Ltmp2, $4  }
0x89: {  	[hbm4b:s28+s29] =	stream.linear.scatter @!p0 [tilespmem:s25], [sflag:$0x1], $0x800, $0x38;
	[tilespmem:$0x1E980] =	vst v63  }
0x8a: {  	_ =	swait.ge @!p0 [sflag:s26], $0x800  }
0x8b: {  	[sflag:s26] =	ssyncset.done @!p0 $0x0  }
0x8c: {  	[sflag:s26] =	ssyncadd.s32 @!p0 $0xFFFFF800  }
0x8d: {  	_ =	sfence.sel $0x180000  }
0x8e: {  	[bflag:$0x0] =	sbarrier.arrive $0xFFFF  }
0x8f: {  	_ =	strace $0x90000047  }
0x90: {  	s0 =	sadd.s32 @!p0 $0x100000, s0;
	[bflag:$0x2] =	sbarrier.arrive $0xFFFF  }
0x91: {  	[sflag:s0] =	ssyncadd.tile.s32 @!p0 $0x1;
	_ =	shalt  }
.Lfunc_end2:
_tile_overlayer_lowered:
.L_overlay_start_2:
0x92: {  	(tag) =	ssettag $0x2  }
0x93: {  	s0 =	rddreg [dreg:$0x0];
	s2 =	stileid.u32  }
0x94: {  	s1 =	rddreg [dreg:$0x1];
	p0 =	sne.s32 s2, $0x0  }
0x95: {  	s3 =	rddreg [dreg:$0x2];
	[bflag:$0x3] =	sbarrier.arrive $0xFFFF;
	s2 =	simm.s32 @!p0 $0x1C01  }
0x96: {  	[timem:s3], [sflag:s2] =	dma.local @!p0 [hbm:s0], s1  }
0x97: {  	s0 =	simm.s32 @!p0 $0x1  }
0x98: {  	_ =	swait.ge @!p0 [sflag:s0], s1  }
0x99: {  	s1 =	ssub.s32 @!p0 $0x0, s1;
	[sflag:s0] =	ssyncset.done @!p0 $0x0  }
0x9a: {  	[sflag:s0] =	ssyncadd.s32 @!p0 s1  }
0x9b: {  	[bflag:$0x3] =	sbarrier.arrive $0xFFFF  }
0x9c: {  	_ =	shalt  }

</sc_bundles>
